<compile_context>
chip_gen: v7x
topology: tpu7x:2x2x1
jax: 0.10.2.dev20260603
libtpu: 0.0.44.dev20260713+nightly
codegen_flags: <defaults>
</compile_context>

<pallas_src>
import functools

import jax
import jax.numpy as jnp
from jax import lax
from jax.experimental import pallas as pl
from jax.experimental.pallas import tpu as pltpu
from jax.experimental.pallas import tpu_sc as plsc

B = 16384
C = 1000
M = 1000000
NW = 32
BPW = B // NW
LANES = 16
GROUPS = B // LANES
CH = 31256
LAST = M - (NW - 1) * CH
BETA = 0.9

_COLS = 2048


def _loss_body(xt_ref, t_ref, o_ref):
    x = xt_ref[...]
    t = t_ref[...].reshape(1, _COLS)
    m = jnp.max(x, axis=0, keepdims=True)
    lse = m + jnp.log(jnp.sum(jnp.exp(x - m), axis=0, keepdims=True))
    row = lax.broadcasted_iota(jnp.int32, x.shape, 0)
    tv = jnp.sum(jnp.where(row == t, x, 0.0), axis=0, keepdims=True)
    o_ref[...] = (lse - tv).reshape(_COLS // 128, 128)


def _ce_loss(logits, targets):
    return pl.pallas_call(
        _loss_body,
        grid=(B // _COLS,),
        in_specs=[
            pl.BlockSpec((C, _COLS), lambda i: (0, i)),
            pl.BlockSpec((_COLS // 128, 128), lambda i: (i, 0)),
        ],
        out_specs=pl.BlockSpec((_COLS // 128, 128), lambda i: (i, 0)),
        out_shape=jax.ShapeDtypeStruct((B // 128, 128), jnp.float32),
    )(logits.T, targets.reshape(B // 128, 128))


_IDX_ROWS_PER_W = (B // 128) // NW


def _sc_gather_body(table_hbm, idx_hbm, out_hbm, idx_v, g_v, sem):
    wid = lax.axis_index("s") * 2 + lax.axis_index("c")
    r0 = wid * _IDX_ROWS_PER_W
    pltpu.sync_copy(idx_hbm.at[pl.ds(r0, _IDX_ROWS_PER_W)], idx_v)
    descs = [
        pltpu.async_copy(table_hbm.at[idx_v.at[j]], g_v.at[j], sem)
        for j in range(_IDX_ROWS_PER_W)
    ]
    for d in descs:
        d.wait()
    pltpu.sync_copy(g_v, out_hbm.at[pl.ds(r0, _IDX_ROWS_PER_W)])


HALF = M // 2
STRIPE = 31248
HSTRIPE = STRIPE // 2
TAILW = HALF - 16 * STRIPE
SLICE = B // 16
SROWS = SLICE // 128
TRASH = HALF
ACC0 = HALF + 8


def _sc_update_body(exp_hbm, pk_hbm, dpm_hbm, params_hbm,
                    nl_out_hbm, exp_out_hbm,
                    pk_v, nl_v, sidx_v, dpm_v, out_v,
                    acc_v, aidx_v, accrd_v, params_v, stripe_v, tail_v,
                    img_sh, sem):
    c = lax.axis_index("c")
    s = lax.axis_index("s")
    half_lo = c * HALF
    r0 = s * SROWS

    stripe_lo = s * STRIPE
    ld = pltpu.async_copy(exp_hbm.at[pl.ds(half_lo + stripe_lo, STRIPE)],
                          stripe_v, sem)

    pltpu.sync_copy(pk_hbm.at[:, pl.ds(r0, SROWS)], pk_v)
    pltpu.sync_copy(params_hbm, params_v)
    pltpu.sync_copy(dpm_hbm.at[pl.ds(r0 + c * (SROWS // 2), SROWS // 2)],
                    dpm_v)

    lane = lax.iota(jnp.int32, LANES)
    p = params_v[...]
    inv_bc = jnp.sum(jnp.where(lane == 0, p, 0.0))
    es = jnp.sum(jnp.where(lane == 1, p, 0.0))

    acc = jnp.zeros((LANES,), jnp.float32)
    for r in range(SROWS):
        def grp(j, a, r=r):
            sl = pl.ds(j * LANES, LANES)
            fsl = pl.ds(r * 128 + j * LANES, LANES)
            ii = plsc.bitcast(pk_v[0, r, sl], jnp.int32)
            nl = pk_v[1, r, sl] * BETA + pk_v[2, r, sl] * (1.0 - BETA)
            nl_v[fsl] = nl
            li = ii - half_lo
            m = (li >= 0) & (li < HALF)
            sidx_v[fsl] = jnp.where(m, li, TRASH)
            return a + nl

        acc = lax.fori_loop(0, 128 // LANES, grp, acc)

    lane16 = lax.iota(jnp.int32, LANES)
    aidx_v[...] = lane16 + ACC0

    @pl.when(s == 0)
    def _():
        accrd_v[...] = jnp.zeros((LANES,), jnp.float32)
        pltpu.sync_copy(accrd_v, img_sh.at[pl.ds(ACC0, LANES)])

    ld.wait()
    pltpu.sync_copy(stripe_v, img_sh.at[pl.ds(stripe_lo, STRIPE)])

    @pl.when(s == 15)
    def _():
        pltpu.sync_copy(exp_hbm.at[pl.ds(half_lo + 16 * STRIPE, TAILW)],
                        tail_v)
        pltpu.sync_copy(tail_v, img_sh.at[pl.ds(16 * STRIPE, TAILW)])

    plsc.subcore_barrier()

    acc_v[...] = acc
    pltpu.sync_copy(acc_v, img_sh.at[aidx_v], add=True)

    pltpu.sync_copy(nl_v, img_sh.at[sidx_v])

    plsc.subcore_barrier()

    pltpu.sync_copy(img_sh.at[pl.ds(stripe_lo, STRIPE)], stripe_v)
    st = pltpu.async_copy(stripe_v,
                          exp_out_hbm.at[pl.ds(half_lo + stripe_lo, STRIPE)],
                          sem)

    @pl.when(s == 15)
    def _():
        pltpu.sync_copy(img_sh.at[pl.ds(16 * STRIPE, TAILW)], tail_v)
        pltpu.sync_copy(tail_v,
                        exp_out_hbm.at[pl.ds(half_lo + 16 * STRIPE, TAILW)])

    pltpu.sync_copy(img_sh.at[pl.ds(ACC0, LANES)], accrd_v)
    k1 = jnp.sum(accrd_v[...]) * inv_bc * (1.0 / B)

    for cc in range(2):
        @pl.when(c == cc)
        def _(cc=cc):
            for r in range(SROWS // 2):
                def grp2(j, carry, r=r, cc=cc):
                    sl = pl.ds(j * LANES, LANES)
                    nl = nl_v[pl.ds((cc * (SROWS // 2) + r) * 128 + j * LANES,
                                    LANES)]
                    out_v[r, sl] = (nl * inv_bc - k1) * es / dpm_v[r, sl]
                    return carry

                lax.fori_loop(0, 128 // LANES, grp2, 0)

    pltpu.sync_copy(out_v, nl_out_hbm.at[pl.ds(r0 + c * (SROWS // 2),
                                               SROWS // 2)])
    st.wait()


@functools.lru_cache(maxsize=1)
def _sc_kernels():
    mesh = plsc.VectorSubcoreMesh(core_axis_name="c", subcore_axis_name="s")
    params = pltpu.CompilerParams(needs_layout_passes=False)
    gather = pl.kernel(
        _sc_gather_body,
        out_type=jax.ShapeDtypeStruct((B // 128, 128), jnp.float32),
        mesh=mesh,
        scratch_types=[
            pltpu.VMEM((_IDX_ROWS_PER_W, 128), jnp.int32),
            pltpu.VMEM((_IDX_ROWS_PER_W, 128), jnp.float32),
            pltpu.SemaphoreType.DMA,
        ],
        compiler_params=params,
    )
    update = pl.kernel(
        _sc_update_body,
        out_type=(
            jax.ShapeDtypeStruct((B // 128, 128), jnp.float32),
            jax.ShapeDtypeStruct((M,), jnp.float32),
        ),
        mesh=mesh,
        scratch_types=[
            pltpu.VMEM((3, SROWS, 128), jnp.float32),
            pltpu.VMEM((SLICE,), jnp.float32),
            pltpu.VMEM((SLICE,), jnp.int32),
            pltpu.VMEM((SROWS // 2, 128), jnp.float32),
            pltpu.VMEM((SROWS // 2, 128), jnp.float32),
            pltpu.VMEM((LANES,), jnp.float32),
            pltpu.VMEM((LANES,), jnp.int32),
            pltpu.VMEM((LANES,), jnp.float32),
            pltpu.VMEM((LANES,), jnp.float32),
            pltpu.VMEM((STRIPE,), jnp.float32),
            pltpu.VMEM((TAILW,), jnp.float32),
            pltpu.VMEM_SHARED((HALF + 32,), jnp.float32),
            pltpu.SemaphoreType.DMA,
        ],
        compiler_params=params,
    )
    return gather, update


def kernel(logits, targets, data_parameter_minibatch, exp_avg, index_dataset,
           epoch):
    epoch = jnp.asarray(epoch)
    ef = (epoch + 1).astype(jnp.float32)
    bias_cor = 1.0 - jnp.power(jnp.float32(BETA), ef)
    es = jnp.where(epoch < 10, ef / 10.0, 1.0).astype(jnp.float32)
    params = jnp.zeros((LANES,), jnp.float32)
    params = params.at[0].set(1.0 / bias_cor).at[1].set(es)

    sc_gather, sc_update = _sc_kernels()
    idx2d = index_dataset.reshape(B // 128, 128)
    loss2d = _ce_loss(logits, targets)
    g2d = sc_gather(exp_avg, idx2d)
    idxf = lax.bitcast_convert_type(idx2d, jnp.float32)
    packed = jnp.stack([idxf, g2d, loss2d], axis=0)
    new_loss2d, exp_avg_new = sc_update(
        exp_avg, packed,
        data_parameter_minibatch.reshape(B // 128, 128), params)
    return new_loss2d.reshape(B), exp_avg_new

# --- scband reference (transcript-rebuilt; emitter-appended) ---
"""Pipeline reference for scband-discrim-ea-emakloss-28630251995795 (READ-ONLY COPY).

The authoritative reference and input builder live on the scoring server;
editing this copy changes nothing except your own understanding.
"""

import jax, jax.numpy as jnp
import numpy as np

beta = 0.9
rho = 0.9

def ES_linear(ce, SUPPRESSION_EPS=10):
    return jnp.where(ce < SUPPRESSION_EPS, (ce + 1) / 10.0, 1.0)


def setup_inputs(seed: int = 0) -> dict:
    key = jax.random.key(seed)
    k1, k2, k3, k4, k5 = jax.random.split(key, 5)
    B, C, M = 16384, 1000, 1000000
    logits = jax.random.normal(k1, (B, C), dtype=jnp.float32)
    targets = jax.random.randint(k2, (B,), 0, C, dtype=jnp.int32)
    data_parameter_minibatch = jax.random.uniform(k3, (B,), dtype=jnp.float32)
    exp_avg = jax.random.uniform(k4, (M,), dtype=jnp.float32)
    index_dataset = jax.random.randint(k5, (B,), 0, M, dtype=jnp.int32)
    epoch = 5
    return {
        "logits": logits,
        "targets": targets,
        "data_parameter_minibatch": data_parameter_minibatch,
        "exp_avg": exp_avg,
        "index_dataset": index_dataset,
        "epoch": epoch,
    }


def reference(logits, targets, data_parameter_minibatch, exp_avg, index_dataset, epoch):
    es = ES_linear(epoch)
    # F.cross_entropy with reduction='none'
    logp = jax.nn.log_softmax(logits, axis=-1)
    loss = -jnp.take_along_axis(logp, targets[:, None], axis=1)[:, 0]
    # EMA update with gather from exp_avg memory
    new_loss = exp_avg[index_dataset] * beta + loss * (1.0 - beta)
    # in-place scatter-overwrite of detached EMA values (side effect in torch)
    exp_avg_new = exp_avg.at[index_dataset].set(jax.lax.stop_gradient(new_loss))
    bias_cor = 1.0 - beta ** (epoch + 1)
    new_loss = new_loss / bias_cor
    # first call: self.k1 = new_loss.mean()
    k1 = new_loss.mean()
    new_loss = (new_loss - k1) * es
    new_loss = new_loss / data_parameter_minibatch
    return new_loss, exp_avg_new

if __name__ == "__main__":
    import jax
    _d = setup_inputs()
    print(jax.jit(kernel)(*tuple(_d.values())))

</pallas_src>

<mosaic_0001>
#map = affine_map<(d0, d1) -> (0)>
#map1 = affine_map<(d0, d1) -> (0, 0, 0)>
#map2 = affine_map<(d0, d1) -> (0, 0)>
module attributes {stable_mosaic.version = 14 : i64} {
  func.func @_sc_update_body(%arg0: i32, %arg1: i32, %arg2: memref<1000000xf32, #tpu.memory_space<hbm>>, %arg3: memref<3x128x128xf32, #tpu.memory_space<hbm>>, %arg4: memref<128x128xf32, #tpu.memory_space<hbm>>, %arg5: memref<16xf32, #tpu.memory_space<hbm>>, %arg6: memref<128x128xf32, #tpu.memory_space<hbm>>, %arg7: memref<1000000xf32, #tpu.memory_space<hbm>>, %arg8: memref<3x8x128xf32, #tpu.memory_space<vmem>>, %arg9: memref<1024xf32, #tpu.memory_space<vmem>>, %arg10: memref<1024xi32, #tpu.memory_space<vmem>>, %arg11: memref<4x128xf32, #tpu.memory_space<vmem>>, %arg12: memref<4x128xf32, #tpu.memory_space<vmem>>, %arg13: memref<16xf32, #tpu.memory_space<vmem>>, %arg14: memref<16xi32, #tpu.memory_space<vmem>>, %arg15: memref<16xf32, #tpu.memory_space<vmem>>, %arg16: memref<16xf32, #tpu.memory_space<vmem>>, %arg17: memref<31248xf32, #tpu.memory_space<vmem>>, %arg18: memref<32xf32, #tpu.memory_space<vmem>>, %arg19: memref<500032xf32, #tpu.memory_space<vmem_shared>>, %arg20: memref<!tpu.dma_semaphore, #tpu.memory_space<semaphore_mem>>) attributes {dimension_semantics = [#tpu.dimension_semantics<core_parallel>, #tpu.dimension_semantics<subcore_parallel>], iteration_bounds = array<i64: 2, 16>, scalar_prefetch = 0 : i64, scratch_operands = 13 : i64, tpu.core_type = #tpu.core_type<sc_vector_subcore>, window_params = [{transform_indices = #map}, {transform_indices = #map1}, {transform_indices = #map2}, {transform_indices = #map}, {transform_indices = #map2}, {transform_indices = #map}]} {
    %mul3A = arith.constant 500000 : i32
    %mul3A_0 = arith.muli %arg0, %mul3A : i32
    %mul3A_1 = arith.constant 8 : i32
    %mul3A_2 = arith.muli %arg1, %mul3A_1 : i32
    %mul3A_3 = arith.constant 31248 : i32
    %mul3A_4 = arith.muli %arg1, %mul3A_3 : i32
    %add3A = arith.addi %mul3A_0, %mul3A_4 : i32
    %dma_start3A = tpu.memref_slice %arg2[%add3A] : memref<1000000xf32, #tpu.memory_space<hbm>> -> memref<31248xf32, #tpu.memory_space<hbm>>
    %dma_start3A_5 = tpu.memref_slice %arg2[%add3A] : memref<1000000xf32, #tpu.memory_space<hbm>> -> memref<31248xf32, #tpu.memory_space<hbm>>
    tpu.enqueue_dma source(%dma_start3A_5 : memref<31248xf32, #tpu.memory_space<hbm>>) target(%arg17 : memref<31248xf32, #tpu.memory_space<vmem>>) target_semaphore(%arg20 : memref<!tpu.dma_semaphore, #tpu.memory_space<semaphore_mem>>)
    "tpu.region"() ({
      %run_scoped3A = tpu.sem_alloc : memref<!tpu.dma_semaphore, #tpu.memory_space<semaphore_mem>>
      %dma_start3A_123 = arith.constant 0 : i32
      %dma_start3A_124 = arith.constant 0 : i32
      %dma_start3A_125 = tpu.memref_slice %arg3[%dma_start3A_123, %mul3A_2, %dma_start3A_124] : memref<3x128x128xf32, #tpu.memory_space<hbm>> -> memref<3x8x128xf32, #tpu.memory_space<hbm>>
      %dma_start3A_126 = arith.constant 0 : i32
      %dma_start3A_127 = arith.constant 0 : i32
      %dma_start3A_128 = tpu.memref_slice %arg3[%dma_start3A_126, %mul3A_2, %dma_start3A_127] : memref<3x128x128xf32, #tpu.memory_space<hbm>> -> memref<3x8x128xf32, #tpu.memory_space<hbm>>
      tpu.enqueue_dma source(%dma_start3A_128 : memref<3x8x128xf32, #tpu.memory_space<hbm>>) target(%arg8 : memref<3x8x128xf32, #tpu.memory_space<vmem>>) target_semaphore(%run_scoped3A : memref<!tpu.dma_semaphore, #tpu.memory_space<semaphore_mem>>)
      %dma_wait3A_129 = arith.constant 0 : i32
      %dma_wait3A_130 = arith.constant 0 : i32
      %dma_wait3A_131 = tpu.memref_slice %arg3[%dma_wait3A_129, %mul3A_2, %dma_wait3A_130] : memref<3x128x128xf32, #tpu.memory_space<hbm>> -> memref<3x8x128xf32, #tpu.memory_space<hbm>>
      %dma_wait3A_132 = arith.constant 0 : i32
      %dma_wait3A_133 = arith.constant 0 : i32
      %dma_wait3A_134 = tpu.memref_slice %arg3[%dma_wait3A_132, %mul3A_2, %dma_wait3A_133] : memref<3x128x128xf32, #tpu.memory_space<hbm>> -> memref<3x8x128xf32, #tpu.memory_space<hbm>>
      tpu.wait_dma2 semaphore(%run_scoped3A : memref<!tpu.dma_semaphore, #tpu.memory_space<semaphore_mem>>) src(%dma_wait3A_134 : memref<3x8x128xf32, #tpu.memory_space<hbm>>) dst(%arg8 : memref<3x8x128xf32, #tpu.memory_space<vmem>>)
      tpu.yield
    }) : () -> ()
    "tpu.region"() ({
      %run_scoped3A = tpu.sem_alloc : memref<!tpu.dma_semaphore, #tpu.memory_space<semaphore_mem>>
      tpu.enqueue_dma source(%arg5 : memref<16xf32, #tpu.memory_space<hbm>>) target(%arg16 : memref<16xf32, #tpu.memory_space<vmem>>) target_semaphore(%run_scoped3A : memref<!tpu.dma_semaphore, #tpu.memory_space<semaphore_mem>>)
      tpu.wait_dma2 semaphore(%run_scoped3A : memref<!tpu.dma_semaphore, #tpu.memory_space<semaphore_mem>>) src(%arg5 : memref<16xf32, #tpu.memory_space<hbm>>) dst(%arg16 : memref<16xf32, #tpu.memory_space<vmem>>)
      tpu.yield
    }) : () -> ()
    %mul3A_6 = arith.constant 4 : i32
    %mul3A_7 = arith.muli %arg0, %mul3A_6 : i32
    %add3A_8 = arith.addi %mul3A_2, %mul3A_7 : i32
    "tpu.region"() ({
      %run_scoped3A = tpu.sem_alloc : memref<!tpu.dma_semaphore, #tpu.memory_space<semaphore_mem>>
      %dma_start3A_123 = arith.constant 0 : i32
      %dma_start3A_124 = tpu.memref_slice %arg4[%add3A_8, %dma_start3A_123] : memref<128x128xf32, #tpu.memory_space<hbm>> -> memref<4x128xf32, #tpu.memory_space<hbm>>
      %dma_start3A_125 = arith.constant 0 : i32
      %dma_start3A_126 = tpu.memref_slice %arg4[%add3A_8, %dma_start3A_125] : memref<128x128xf32, #tpu.memory_space<hbm>> -> memref<4x128xf32, #tpu.memory_space<hbm>>
      tpu.enqueue_dma source(%dma_start3A_126 : memref<4x128xf32, #tpu.memory_space<hbm>>) target(%arg11 : memref<4x128xf32, #tpu.memory_space<vmem>>) target_semaphore(%run_scoped3A : memref<!tpu.dma_semaphore, #tpu.memory_space<semaphore_mem>>)
      %dma_wait3A_127 = arith.constant 0 : i32
      %dma_wait3A_128 = tpu.memref_slice %arg4[%add3A_8, %dma_wait3A_127] : memref<128x128xf32, #tpu.memory_space<hbm>> -> memref<4x128xf32, #tpu.memory_space<hbm>>
      %dma_wait3A_129 = arith.constant 0 : i32
      %dma_wait3A_130 = tpu.memref_slice %arg4[%add3A_8, %dma_wait3A_129] : memref<128x128xf32, #tpu.memory_space<hbm>> -> memref<4x128xf32, #tpu.memory_space<hbm>>
      tpu.wait_dma2 semaphore(%run_scoped3A : memref<!tpu.dma_semaphore, #tpu.memory_space<semaphore_mem>>) src(%dma_wait3A_130 : memref<4x128xf32, #tpu.memory_space<hbm>>) dst(%arg11 : memref<4x128xf32, #tpu.memory_space<vmem>>)
      tpu.yield
    }) : () -> ()
    %iota3A = tpu.iota {dimensions = array<i32: 0>} : vector<16xi32>
    %get3A = arith.constant 0 : index
    %get3A_9 = tpu.vector_load %arg16[%get3A] {strides = array<i32>} : memref<16xf32, #tpu.memory_space<vmem>>, vector<16xf32>,
    %eq3A = arith.constant 0 : i32
    %eq3A_10 = vector.broadcast %eq3A : i32 to vector<16xi32>
    %eq3A_11 = arith.cmpi eq, %iota3A, %eq3A_10 : vector<16xi32>
    %jit3A = arith.constant 0.000000e+00 : f32
    %broadcast_in_dim3A = vector.broadcast %jit3A : f32 to vector<16xf32>
    %select_n3A = arith.select %eq3A_11, %get3A_9, %broadcast_in_dim3A : vector<16xi1>, vector<16xf32>
    %reduce_sum3A = arith.constant true
    %reduce_sum3A_12 = vector.broadcast %reduce_sum3A : i1 to vector<16xi1>
    %reduce_sum3A_13 = tpu.scan <sum>, %select_n3A masked %reduce_sum3A_12 : vector<16xf32>, vector<16xi1> -> vector<16xf32>
    %reduce_sum3A_14 = vector.extract %reduce_sum3A_13[15] : f32 from vector<16xf32>
    %eq3A_15 = arith.constant 1 : i32
    %eq3A_16 = vector.broadcast %eq3A_15 : i32 to vector<16xi32>
    %eq3A_17 = arith.cmpi eq, %iota3A, %eq3A_16 : vector<16xi32>
    %jit3A_18 = arith.constant 0.000000e+00 : f32
    %broadcast_in_dim3A_19 = vector.broadcast %jit3A_18 : f32 to vector<16xf32>
    %select_n3A_20 = arith.select %eq3A_17, %get3A_9, %broadcast_in_dim3A_19 : vector<16xi1>, vector<16xf32>
    %reduce_sum3A_21 = arith.constant true
    %reduce_sum3A_22 = vector.broadcast %reduce_sum3A_21 : i1 to vector<16xi1>
    %reduce_sum3A_23 = tpu.scan <sum>, %select_n3A_20 masked %reduce_sum3A_22 : vector<16xf32>, vector<16xi1> -> vector<16xf32>
    %reduce_sum3A_24 = vector.extract %reduce_sum3A_23[15] : f32 from vector<16xf32>
    %broadcast_in_dim3A_25 = arith.constant 0.000000e+00 : f32
    %broadcast_in_dim3A_26 = vector.broadcast %broadcast_in_dim3A_25 : f32 to vector<16xf32>
    %scan3A = arith.constant 0 : i32
    %scan3A_27 = arith.constant 8 : i32
    %scan3A_28 = arith.addi %scan3A, %scan3A_27 : i32
    %scan3A_29 = arith.constant 1 : i32
    %scan3A_30 = scf.for %scan3A_123 = %scan3A to %scan3A_28 step %scan3A_29 iter_args(%scan3A_124 = %broadcast_in_dim3A_26) -> (vector<16xf32>)  : i32 {
      %mul3A_125 = arith.constant 16 : i32
      %mul3A_126 = arith.muli %scan3A_123, %mul3A_125 : i32
      %mul3A_127 = arith.constant 16 : i32
      %mul3A_128 = arith.muli %scan3A_123, %mul3A_127 : i32
      %add3A_129 = arith.constant 0 : i32
      %add3A_130 = arith.addi %add3A_129, %mul3A_128 : i32
      %get3A_131 = arith.constant 0 : i32
      %get3A_132 = arith.constant 0 : i32
      %get3A_133 = arith.index_cast %get3A_131 : i32 to index
      %get3A_134 = arith.index_cast %get3A_132 : i32 to index
      %get3A_135 = arith.index_cast %mul3A_126 : i32 to index
      %get3A_136 = tpu.vector_load %arg8[%get3A_133, %get3A_134, %get3A_135] {strides = array<i32>} : memref<3x8x128xf32, #tpu.memory_space<vmem>>, vector<16xf32>,
      %bitcast3A = vector.bitcast %get3A_136 : vector<16xf32> to vector<16xi32>
      %get3A_137 = arith.constant 1 : i32
      %get3A_138 = arith.constant 0 : i32
      %get3A_139 = arith.index_cast %get3A_137 : i32 to index
      %get3A_140 = arith.index_cast %get3A_138 : i32 to index
      %get3A_141 = arith.index_cast %mul3A_126 : i32 to index
      %get3A_142 = tpu.vector_load %arg8[%get3A_139, %get3A_140, %get3A_141] {strides = array<i32>} : memref<3x8x128xf32, #tpu.memory_space<vmem>>, vector<16xf32>,
      %mul3A_143 = arith.constant 0.899999976 : f32
      %mul3A_144 = vector.broadcast %mul3A_143 : f32 to vector<16xf32>
      %mul3A_145 = arith.mulf %get3A_142, %mul3A_144 : vector<16xf32>
      %get3A_146 = arith.constant 2 : i32
      %get3A_147 = arith.constant 0 : i32
      %get3A_148 = arith.index_cast %get3A_146 : i32 to index
      %get3A_149 = arith.index_cast %get3A_147 : i32 to index
      %get3A_150 = arith.index_cast %mul3A_126 : i32 to index
      %get3A_151 = tpu.vector_load %arg8[%get3A_148, %get3A_149, %get3A_150] {strides = array<i32>} : memref<3x8x128xf32, #tpu.memory_space<vmem>>, vector<16xf32>,
      %mul3A_152 = arith.constant 1.000000e-01 : f32
      %mul3A_153 = vector.broadcast %mul3A_152 : f32 to vector<16xf32>
      %mul3A_154 = arith.mulf %get3A_151, %mul3A_153 : vector<16xf32>
      %add3A_155 = arith.addf %mul3A_145, %mul3A_154 : vector<16xf32>
      %swap3A_156 = arith.index_cast %add3A_130 : i32 to index
      %swap3A_157 = tpu.vector_load %arg9[%swap3A_156] {strides = array<i32>} : memref<1024xf32, #tpu.memory_space<vmem>>, vector<16xf32>,
      tpu.vector_store %arg9[%swap3A_156], %add3A_155 {strides = array<i32>} : memref<1024xf32, #tpu.memory_space<vmem>>, vector<16xf32>,
      %sub3A = vector.broadcast %mul3A_0 : i32 to vector<16xi32>
      %sub3A_158 = arith.subi %bitcast3A, %sub3A : vector<16xi32>
      %ge3A = arith.constant 0 : i32
      %ge3A_159 = vector.broadcast %ge3A : i32 to vector<16xi32>
      %ge3A_160 = arith.cmpi sge, %sub3A_158, %ge3A_159 : vector<16xi32>
      %lt3A = arith.constant 500000 : i32
      %lt3A_161 = vector.broadcast %lt3A : i32 to vector<16xi32>
      %lt3A_162 = arith.cmpi slt, %sub3A_158, %lt3A_161 : vector<16xi32>
      %and3A = arith.andi %ge3A_160, %lt3A_162 : vector<16xi1>
      %jit3A_163 = arith.constant 500000 : i32
      %broadcast_in_dim3A_164 = vector.broadcast %jit3A_163 : i32 to vector<16xi32>
      %select_n3A_165 = arith.select %and3A, %sub3A_158, %broadcast_in_dim3A_164 : vector<16xi1>, vector<16xi32>
      %swap3A_166 = arith.index_cast %add3A_130 : i32 to index
      %swap3A_167 = tpu.vector_load %arg10[%swap3A_166] {strides = array<i32>} : memref<1024xi32, #tpu.memory_space<vmem>>, vector<16xi32>,
      tpu.vector_store %arg10[%swap3A_166], %select_n3A_165 {strides = array<i32>} : memref<1024xi32, #tpu.memory_space<vmem>>, vector<16xi32>,
      %add3A_168 = arith.addf %scan3A_124, %add3A_155 : vector<16xf32>
      scf.yield %add3A_168 : vector<16xf32>
    }
    %scan3A_31 = arith.constant 8 : i32
    %scan3A_32 = arith.constant 0 : i32
    %scan3A_33 = arith.constant 8 : i32
    %scan3A_34 = arith.addi %scan3A_32, %scan3A_33 : i32
    %scan3A_35 = arith.constant 1 : i32
    %scan3A_36 = scf.for %scan3A_123 = %scan3A_32 to %scan3A_34 step %scan3A_35 iter_args(%scan3A_124 = %scan3A_30) -> (vector<16xf32>)  : i32 {
      %mul3A_125 = arith.constant 16 : i32
      %mul3A_126 = arith.muli %scan3A_123, %mul3A_125 : i32
      %mul3A_127 = arith.constant 16 : i32
      %mul3A_128 = arith.muli %scan3A_123, %mul3A_127 : i32
      %add3A_129 = arith.constant 128 : i32
      %add3A_130 = arith.addi %add3A_129, %mul3A_128 : i32
      %get3A_131 = arith.constant 0 : i32
      %get3A_132 = arith.constant 1 : i32
      %get3A_133 = arith.index_cast %get3A_131 : i32 to index
      %get3A_134 = arith.index_cast %get3A_132 : i32 to index
      %get3A_135 = arith.index_cast %mul3A_126 : i32 to index
      %get3A_136 = tpu.vector_load %arg8[%get3A_133, %get3A_134, %get3A_135] {strides = array<i32>} : memref<3x8x128xf32, #tpu.memory_space<vmem>>, vector<16xf32>,
      %bitcast3A = vector.bitcast %get3A_136 : vector<16xf32> to vector<16xi32>
      %get3A_137 = arith.constant 1 : i32
      %get3A_138 = arith.constant 1 : i32
      %get3A_139 = arith.index_cast %get3A_137 : i32 to index
      %get3A_140 = arith.index_cast %get3A_138 : i32 to index
      %get3A_141 = arith.index_cast %mul3A_126 : i32 to index
      %get3A_142 = tpu.vector_load %arg8[%get3A_139, %get3A_140, %get3A_141] {strides = array<i32>} : memref<3x8x128xf32, #tpu.memory_space<vmem>>, vector<16xf32>,
      %mul3A_143 = arith.constant 0.899999976 : f32
      %mul3A_144 = vector.broadcast %mul3A_143 : f32 to vector<16xf32>
      %mul3A_145 = arith.mulf %get3A_142, %mul3A_144 : vector<16xf32>
      %get3A_146 = arith.constant 2 : i32
      %get3A_147 = arith.constant 1 : i32
      %get3A_148 = arith.index_cast %get3A_146 : i32 to index
      %get3A_149 = arith.index_cast %get3A_147 : i32 to index
      %get3A_150 = arith.index_cast %mul3A_126 : i32 to index
      %get3A_151 = tpu.vector_load %arg8[%get3A_148, %get3A_149, %get3A_150] {strides = array<i32>} : memref<3x8x128xf32, #tpu.memory_space<vmem>>, vector<16xf32>,
      %mul3A_152 = arith.constant 1.000000e-01 : f32
      %mul3A_153 = vector.broadcast %mul3A_152 : f32 to vector<16xf32>
      %mul3A_154 = arith.mulf %get3A_151, %mul3A_153 : vector<16xf32>
      %add3A_155 = arith.addf %mul3A_145, %mul3A_154 : vector<16xf32>
      %swap3A_156 = arith.index_cast %add3A_130 : i32 to index
      %swap3A_157 = tpu.vector_load %arg9[%swap3A_156] {strides = array<i32>} : memref<1024xf32, #tpu.memory_space<vmem>>, vector<16xf32>,
      tpu.vector_store %arg9[%swap3A_156], %add3A_155 {strides = array<i32>} : memref<1024xf32, #tpu.memory_space<vmem>>, vector<16xf32>,
      %sub3A = vector.broadcast %mul3A_0 : i32 to vector<16xi32>
      %sub3A_158 = arith.subi %bitcast3A, %sub3A : vector<16xi32>
      %ge3A = arith.constant 0 : i32
      %ge3A_159 = vector.broadcast %ge3A : i32 to vector<16xi32>
      %ge3A_160 = arith.cmpi sge, %sub3A_158, %ge3A_159 : vector<16xi32>
      %lt3A = arith.constant 500000 : i32
      %lt3A_161 = vector.broadcast %lt3A : i32 to vector<16xi32>
      %lt3A_162 = arith.cmpi slt, %sub3A_158, %lt3A_161 : vector<16xi32>
      %and3A = arith.andi %ge3A_160, %lt3A_162 : vector<16xi1>
      %jit3A_163 = arith.constant 500000 : i32
      %broadcast_in_dim3A_164 = vector.broadcast %jit3A_163 : i32 to vector<16xi32>
      %select_n3A_165 = arith.select %and3A, %sub3A_158, %broadcast_in_dim3A_164 : vector<16xi1>, vector<16xi32>
      %swap3A_166 = arith.index_cast %add3A_130 : i32 to index
      %swap3A_167 = tpu.vector_load %arg10[%swap3A_166] {strides = array<i32>} : memref<1024xi32, #tpu.memory_space<vmem>>, vector<16xi32>,
      tpu.vector_store %arg10[%swap3A_166], %select_n3A_165 {strides = array<i32>} : memref<1024xi32, #tpu.memory_space<vmem>>, vector<16xi32>,
      %add3A_168 = arith.addf %scan3A_124, %add3A_155 : vector<16xf32>
      scf.yield %add3A_168 : vector<16xf32>
    }
    %scan3A_37 = arith.constant 8 : i32
    %scan3A_38 = arith.constant 0 : i32
    %scan3A_39 = arith.constant 8 : i32
    %scan3A_40 = arith.addi %scan3A_38, %scan3A_39 : i32
    %scan3A_41 = arith.constant 1 : i32
    %scan3A_42 = scf.for %scan3A_123 = %scan3A_38 to %scan3A_40 step %scan3A_41 iter_args(%scan3A_124 = %scan3A_36) -> (vector<16xf32>)  : i32 {
      %mul3A_125 = arith.constant 16 : i32
      %mul3A_126 = arith.muli %scan3A_123, %mul3A_125 : i32
      %mul3A_127 = arith.constant 16 : i32
      %mul3A_128 = arith.muli %scan3A_123, %mul3A_127 : i32
      %add3A_129 = arith.constant 256 : i32
      %add3A_130 = arith.addi %add3A_129, %mul3A_128 : i32
      %get3A_131 = arith.constant 0 : i32
      %get3A_132 = arith.constant 2 : i32
      %get3A_133 = arith.index_cast %get3A_131 : i32 to index
      %get3A_134 = arith.index_cast %get3A_132 : i32 to index
      %get3A_135 = arith.index_cast %mul3A_126 : i32 to index
      %get3A_136 = tpu.vector_load %arg8[%get3A_133, %get3A_134, %get3A_135] {strides = array<i32>} : memref<3x8x128xf32, #tpu.memory_space<vmem>>, vector<16xf32>,
      %bitcast3A = vector.bitcast %get3A_136 : vector<16xf32> to vector<16xi32>
      %get3A_137 = arith.constant 1 : i32
      %get3A_138 = arith.constant 2 : i32
      %get3A_139 = arith.index_cast %get3A_137 : i32 to index
      %get3A_140 = arith.index_cast %get3A_138 : i32 to index
      %get3A_141 = arith.index_cast %mul3A_126 : i32 to index
      %get3A_142 = tpu.vector_load %arg8[%get3A_139, %get3A_140, %get3A_141] {strides = array<i32>} : memref<3x8x128xf32, #tpu.memory_space<vmem>>, vector<16xf32>,
      %mul3A_143 = arith.constant 0.899999976 : f32
      %mul3A_144 = vector.broadcast %mul3A_143 : f32 to vector<16xf32>
      %mul3A_145 = arith.mulf %get3A_142, %mul3A_144 : vector<16xf32>
      %get3A_146 = arith.constant 2 : i32
      %get3A_147 = arith.constant 2 : i32
      %get3A_148 = arith.index_cast %get3A_146 : i32 to index
      %get3A_149 = arith.index_cast %get3A_147 : i32 to index
      %get3A_150 = arith.index_cast %mul3A_126 : i32 to index
      %get3A_151 = tpu.vector_load %arg8[%get3A_148, %get3A_149, %get3A_150] {strides = array<i32>} : memref<3x8x128xf32, #tpu.memory_space<vmem>>, vector<16xf32>,
      %mul3A_152 = arith.constant 1.000000e-01 : f32
      %mul3A_153 = vector.broadcast %mul3A_152 : f32 to vector<16xf32>
      %mul3A_154 = arith.mulf %get3A_151, %mul3A_153 : vector<16xf32>
      %add3A_155 = arith.addf %mul3A_145, %mul3A_154 : vector<16xf32>
      %swap3A_156 = arith.index_cast %add3A_130 : i32 to index
      %swap3A_157 = tpu.vector_load %arg9[%swap3A_156] {strides = array<i32>} : memref<1024xf32, #tpu.memory_space<vmem>>, vector<16xf32>,
      tpu.vector_store %arg9[%swap3A_156], %add3A_155 {strides = array<i32>} : memref<1024xf32, #tpu.memory_space<vmem>>, vector<16xf32>,
      %sub3A = vector.broadcast %mul3A_0 : i32 to vector<16xi32>
      %sub3A_158 = arith.subi %bitcast3A, %sub3A : vector<16xi32>
      %ge3A = arith.constant 0 : i32
      %ge3A_159 = vector.broadcast %ge3A : i32 to vector<16xi32>
      %ge3A_160 = arith.cmpi sge, %sub3A_158, %ge3A_159 : vector<16xi32>
      %lt3A = arith.constant 500000 : i32
      %lt3A_161 = vector.broadcast %lt3A : i32 to vector<16xi32>
      %lt3A_162 = arith.cmpi slt, %sub3A_158, %lt3A_161 : vector<16xi32>
      %and3A = arith.andi %ge3A_160, %lt3A_162 : vector<16xi1>
      %jit3A_163 = arith.constant 500000 : i32
      %broadcast_in_dim3A_164 = vector.broadcast %jit3A_163 : i32 to vector<16xi32>
      %select_n3A_165 = arith.select %and3A, %sub3A_158, %broadcast_in_dim3A_164 : vector<16xi1>, vector<16xi32>
      %swap3A_166 = arith.index_cast %add3A_130 : i32 to index
      %swap3A_167 = tpu.vector_load %arg10[%swap3A_166] {strides = array<i32>} : memref<1024xi32, #tpu.memory_space<vmem>>, vector<16xi32>,
      tpu.vector_store %arg10[%swap3A_166], %select_n3A_165 {strides = array<i32>} : memref<1024xi32, #tpu.memory_space<vmem>>, vector<16xi32>,
      %add3A_168 = arith.addf %scan3A_124, %add3A_155 : vector<16xf32>
      scf.yield %add3A_168 : vector<16xf32>
    }
    %scan3A_43 = arith.constant 8 : i32
    %scan3A_44 = arith.constant 0 : i32
    %scan3A_45 = arith.constant 8 : i32
    %scan3A_46 = arith.addi %scan3A_44, %scan3A_45 : i32
    %scan3A_47 = arith.constant 1 : i32
    %scan3A_48 = scf.for %scan3A_123 = %scan3A_44 to %scan3A_46 step %scan3A_47 iter_args(%scan3A_124 = %scan3A_42) -> (vector<16xf32>)  : i32 {
      %mul3A_125 = arith.constant 16 : i32
      %mul3A_126 = arith.muli %scan3A_123, %mul3A_125 : i32
      %mul3A_127 = arith.constant 16 : i32
      %mul3A_128 = arith.muli %scan3A_123, %mul3A_127 : i32
      %add3A_129 = arith.constant 384 : i32
      %add3A_130 = arith.addi %add3A_129, %mul3A_128 : i32
      %get3A_131 = arith.constant 0 : i32
      %get3A_132 = arith.constant 3 : i32
      %get3A_133 = arith.index_cast %get3A_131 : i32 to index
      %get3A_134 = arith.index_cast %get3A_132 : i32 to index
      %get3A_135 = arith.index_cast %mul3A_126 : i32 to index
      %get3A_136 = tpu.vector_load %arg8[%get3A_133, %get3A_134, %get3A_135] {strides = array<i32>} : memref<3x8x128xf32, #tpu.memory_space<vmem>>, vector<16xf32>,
      %bitcast3A = vector.bitcast %get3A_136 : vector<16xf32> to vector<16xi32>
      %get3A_137 = arith.constant 1 : i32
      %get3A_138 = arith.constant 3 : i32
      %get3A_139 = arith.index_cast %get3A_137 : i32 to index
      %get3A_140 = arith.index_cast %get3A_138 : i32 to index
      %get3A_141 = arith.index_cast %mul3A_126 : i32 to index
      %get3A_142 = tpu.vector_load %arg8[%get3A_139, %get3A_140, %get3A_141] {strides = array<i32>} : memref<3x8x128xf32, #tpu.memory_space<vmem>>, vector<16xf32>,
      %mul3A_143 = arith.constant 0.899999976 : f32
      %mul3A_144 = vector.broadcast %mul3A_143 : f32 to vector<16xf32>
      %mul3A_145 = arith.mulf %get3A_142, %mul3A_144 : vector<16xf32>
      %get3A_146 = arith.constant 2 : i32
      %get3A_147 = arith.constant 3 : i32
      %get3A_148 = arith.index_cast %get3A_146 : i32 to index
      %get3A_149 = arith.index_cast %get3A_147 : i32 to index
      %get3A_150 = arith.index_cast %mul3A_126 : i32 to index
      %get3A_151 = tpu.vector_load %arg8[%get3A_148, %get3A_149, %get3A_150] {strides = array<i32>} : memref<3x8x128xf32, #tpu.memory_space<vmem>>, vector<16xf32>,
      %mul3A_152 = arith.constant 1.000000e-01 : f32
      %mul3A_153 = vector.broadcast %mul3A_152 : f32 to vector<16xf32>
      %mul3A_154 = arith.mulf %get3A_151, %mul3A_153 : vector<16xf32>
      %add3A_155 = arith.addf %mul3A_145, %mul3A_154 : vector<16xf32>
      %swap3A_156 = arith.index_cast %add3A_130 : i32 to index
      %swap3A_157 = tpu.vector_load %arg9[%swap3A_156] {strides = array<i32>} : memref<1024xf32, #tpu.memory_space<vmem>>, vector<16xf32>,
      tpu.vector_store %arg9[%swap3A_156], %add3A_155 {strides = array<i32>} : memref<1024xf32, #tpu.memory_space<vmem>>, vector<16xf32>,
      %sub3A = vector.broadcast %mul3A_0 : i32 to vector<16xi32>
      %sub3A_158 = arith.subi %bitcast3A, %sub3A : vector<16xi32>
      %ge3A = arith.constant 0 : i32
      %ge3A_159 = vector.broadcast %ge3A : i32 to vector<16xi32>
      %ge3A_160 = arith.cmpi sge, %sub3A_158, %ge3A_159 : vector<16xi32>
      %lt3A = arith.constant 500000 : i32
      %lt3A_161 = vector.broadcast %lt3A : i32 to vector<16xi32>
      %lt3A_162 = arith.cmpi slt, %sub3A_158, %lt3A_161 : vector<16xi32>
      %and3A = arith.andi %ge3A_160, %lt3A_162 : vector<16xi1>
      %jit3A_163 = arith.constant 500000 : i32
      %broadcast_in_dim3A_164 = vector.broadcast %jit3A_163 : i32 to vector<16xi32>
      %select_n3A_165 = arith.select %and3A, %sub3A_158, %broadcast_in_dim3A_164 : vector<16xi1>, vector<16xi32>
      %swap3A_166 = arith.index_cast %add3A_130 : i32 to index
      %swap3A_167 = tpu.vector_load %arg10[%swap3A_166] {strides = array<i32>} : memref<1024xi32, #tpu.memory_space<vmem>>, vector<16xi32>,
      tpu.vector_store %arg10[%swap3A_166], %select_n3A_165 {strides = array<i32>} : memref<1024xi32, #tpu.memory_space<vmem>>, vector<16xi32>,
      %add3A_168 = arith.addf %scan3A_124, %add3A_155 : vector<16xf32>
      scf.yield %add3A_168 : vector<16xf32>
    }
    %scan3A_49 = arith.constant 8 : i32
    %scan3A_50 = arith.constant 0 : i32
    %scan3A_51 = arith.constant 8 : i32
    %scan3A_52 = arith.addi %scan3A_50, %scan3A_51 : i32
    %scan3A_53 = arith.constant 1 : i32
    %scan3A_54 = scf.for %scan3A_123 = %scan3A_50 to %scan3A_52 step %scan3A_53 iter_args(%scan3A_124 = %scan3A_48) -> (vector<16xf32>)  : i32 {
      %mul3A_125 = arith.constant 16 : i32
      %mul3A_126 = arith.muli %scan3A_123, %mul3A_125 : i32
      %mul3A_127 = arith.constant 16 : i32
      %mul3A_128 = arith.muli %scan3A_123, %mul3A_127 : i32
      %add3A_129 = arith.constant 512 : i32
      %add3A_130 = arith.addi %add3A_129, %mul3A_128 : i32
      %get3A_131 = arith.constant 0 : i32
      %get3A_132 = arith.constant 4 : i32
      %get3A_133 = arith.index_cast %get3A_131 : i32 to index
      %get3A_134 = arith.index_cast %get3A_132 : i32 to index
      %get3A_135 = arith.index_cast %mul3A_126 : i32 to index
      %get3A_136 = tpu.vector_load %arg8[%get3A_133, %get3A_134, %get3A_135] {strides = array<i32>} : memref<3x8x128xf32, #tpu.memory_space<vmem>>, vector<16xf32>,
      %bitcast3A = vector.bitcast %get3A_136 : vector<16xf32> to vector<16xi32>
      %get3A_137 = arith.constant 1 : i32
      %get3A_138 = arith.constant 4 : i32
      %get3A_139 = arith.index_cast %get3A_137 : i32 to index
      %get3A_140 = arith.index_cast %get3A_138 : i32 to index
      %get3A_141 = arith.index_cast %mul3A_126 : i32 to index
      %get3A_142 = tpu.vector_load %arg8[%get3A_139, %get3A_140, %get3A_141] {strides = array<i32>} : memref<3x8x128xf32, #tpu.memory_space<vmem>>, vector<16xf32>,
      %mul3A_143 = arith.constant 0.899999976 : f32
      %mul3A_144 = vector.broadcast %mul3A_143 : f32 to vector<16xf32>
      %mul3A_145 = arith.mulf %get3A_142, %mul3A_144 : vector<16xf32>
      %get3A_146 = arith.constant 2 : i32
      %get3A_147 = arith.constant 4 : i32
      %get3A_148 = arith.index_cast %get3A_146 : i32 to index
      %get3A_149 = arith.index_cast %get3A_147 : i32 to index
      %get3A_150 = arith.index_cast %mul3A_126 : i32 to index
      %get3A_151 = tpu.vector_load %arg8[%get3A_148, %get3A_149, %get3A_150] {strides = array<i32>} : memref<3x8x128xf32, #tpu.memory_space<vmem>>, vector<16xf32>,
      %mul3A_152 = arith.constant 1.000000e-01 : f32
      %mul3A_153 = vector.broadcast %mul3A_152 : f32 to vector<16xf32>
      %mul3A_154 = arith.mulf %get3A_151, %mul3A_153 : vector<16xf32>
      %add3A_155 = arith.addf %mul3A_145, %mul3A_154 : vector<16xf32>
      %swap3A_156 = arith.index_cast %add3A_130 : i32 to index
      %swap3A_157 = tpu.vector_load %arg9[%swap3A_156] {strides = array<i32>} : memref<1024xf32, #tpu.memory_space<vmem>>, vector<16xf32>,
      tpu.vector_store %arg9[%swap3A_156], %add3A_155 {strides = array<i32>} : memref<1024xf32, #tpu.memory_space<vmem>>, vector<16xf32>,
      %sub3A = vector.broadcast %mul3A_0 : i32 to vector<16xi32>
      %sub3A_158 = arith.subi %bitcast3A, %sub3A : vector<16xi32>
      %ge3A = arith.constant 0 : i32
      %ge3A_159 = vector.broadcast %ge3A : i32 to vector<16xi32>
      %ge3A_160 = arith.cmpi sge, %sub3A_158, %ge3A_159 : vector<16xi32>
      %lt3A = arith.constant 500000 : i32
      %lt3A_161 = vector.broadcast %lt3A : i32 to vector<16xi32>
      %lt3A_162 = arith.cmpi slt, %sub3A_158, %lt3A_161 : vector<16xi32>
      %and3A = arith.andi %ge3A_160, %lt3A_162 : vector<16xi1>
      %jit3A_163 = arith.constant 500000 : i32
      %broadcast_in_dim3A_164 = vector.broadcast %jit3A_163 : i32 to vector<16xi32>
      %select_n3A_165 = arith.select %and3A, %sub3A_158, %broadcast_in_dim3A_164 : vector<16xi1>, vector<16xi32>
      %swap3A_166 = arith.index_cast %add3A_130 : i32 to index
      %swap3A_167 = tpu.vector_load %arg10[%swap3A_166] {strides = array<i32>} : memref<1024xi32, #tpu.memory_space<vmem>>, vector<16xi32>,
      tpu.vector_store %arg10[%swap3A_166], %select_n3A_165 {strides = array<i32>} : memref<1024xi32, #tpu.memory_space<vmem>>, vector<16xi32>,
      %add3A_168 = arith.addf %scan3A_124, %add3A_155 : vector<16xf32>
      scf.yield %add3A_168 : vector<16xf32>
    }
    %scan3A_55 = arith.constant 8 : i32
    %scan3A_56 = arith.constant 0 : i32
    %scan3A_57 = arith.constant 8 : i32
    %scan3A_58 = arith.addi %scan3A_56, %scan3A_57 : i32
    %scan3A_59 = arith.constant 1 : i32
    %scan3A_60 = scf.for %scan3A_123 = %scan3A_56 to %scan3A_58 step %scan3A_59 iter_args(%scan3A_124 = %scan3A_54) -> (vector<16xf32>)  : i32 {
      %mul3A_125 = arith.constant 16 : i32
      %mul3A_126 = arith.muli %scan3A_123, %mul3A_125 : i32
      %mul3A_127 = arith.constant 16 : i32
      %mul3A_128 = arith.muli %scan3A_123, %mul3A_127 : i32
      %add3A_129 = arith.constant 640 : i32
      %add3A_130 = arith.addi %add3A_129, %mul3A_128 : i32
      %get3A_131 = arith.constant 0 : i32
      %get3A_132 = arith.constant 5 : i32
      %get3A_133 = arith.index_cast %get3A_131 : i32 to index
      %get3A_134 = arith.index_cast %get3A_132 : i32 to index
      %get3A_135 = arith.index_cast %mul3A_126 : i32 to index
      %get3A_136 = tpu.vector_load %arg8[%get3A_133, %get3A_134, %get3A_135] {strides = array<i32>} : memref<3x8x128xf32, #tpu.memory_space<vmem>>, vector<16xf32>,
      %bitcast3A = vector.bitcast %get3A_136 : vector<16xf32> to vector<16xi32>
      %get3A_137 = arith.constant 1 : i32
      %get3A_138 = arith.constant 5 : i32
      %get3A_139 = arith.index_cast %get3A_137 : i32 to index
      %get3A_140 = arith.index_cast %get3A_138 : i32 to index
      %get3A_141 = arith.index_cast %mul3A_126 : i32 to index
      %get3A_142 = tpu.vector_load %arg8[%get3A_139, %get3A_140, %get3A_141] {strides = array<i32>} : memref<3x8x128xf32, #tpu.memory_space<vmem>>, vector<16xf32>,
      %mul3A_143 = arith.constant 0.899999976 : f32
      %mul3A_144 = vector.broadcast %mul3A_143 : f32 to vector<16xf32>
      %mul3A_145 = arith.mulf %get3A_142, %mul3A_144 : vector<16xf32>
      %get3A_146 = arith.constant 2 : i32
      %get3A_147 = arith.constant 5 : i32
      %get3A_148 = arith.index_cast %get3A_146 : i32 to index
      %get3A_149 = arith.index_cast %get3A_147 : i32 to index
      %get3A_150 = arith.index_cast %mul3A_126 : i32 to index
      %get3A_151 = tpu.vector_load %arg8[%get3A_148, %get3A_149, %get3A_150] {strides = array<i32>} : memref<3x8x128xf32, #tpu.memory_space<vmem>>, vector<16xf32>,
      %mul3A_152 = arith.constant 1.000000e-01 : f32
      %mul3A_153 = vector.broadcast %mul3A_152 : f32 to vector<16xf32>
      %mul3A_154 = arith.mulf %get3A_151, %mul3A_153 : vector<16xf32>
      %add3A_155 = arith.addf %mul3A_145, %mul3A_154 : vector<16xf32>
      %swap3A_156 = arith.index_cast %add3A_130 : i32 to index
      %swap3A_157 = tpu.vector_load %arg9[%swap3A_156] {strides = array<i32>} : memref<1024xf32, #tpu.memory_space<vmem>>, vector<16xf32>,
      tpu.vector_store %arg9[%swap3A_156], %add3A_155 {strides = array<i32>} : memref<1024xf32, #tpu.memory_space<vmem>>, vector<16xf32>,
      %sub3A = vector.broadcast %mul3A_0 : i32 to vector<16xi32>
      %sub3A_158 = arith.subi %bitcast3A, %sub3A : vector<16xi32>
      %ge3A = arith.constant 0 : i32
      %ge3A_159 = vector.broadcast %ge3A : i32 to vector<16xi32>
      %ge3A_160 = arith.cmpi sge, %sub3A_158, %ge3A_159 : vector<16xi32>
      %lt3A = arith.constant 500000 : i32
      %lt3A_161 = vector.broadcast %lt3A : i32 to vector<16xi32>
      %lt3A_162 = arith.cmpi slt, %sub3A_158, %lt3A_161 : vector<16xi32>
      %and3A = arith.andi %ge3A_160, %lt3A_162 : vector<16xi1>
      %jit3A_163 = arith.constant 500000 : i32
      %broadcast_in_dim3A_164 = vector.broadcast %jit3A_163 : i32 to vector<16xi32>
      %select_n3A_165 = arith.select %and3A, %sub3A_158, %broadcast_in_dim3A_164 : vector<16xi1>, vector<16xi32>
      %swap3A_166 = arith.index_cast %add3A_130 : i32 to index
      %swap3A_167 = tpu.vector_load %arg10[%swap3A_166] {strides = array<i32>} : memref<1024xi32, #tpu.memory_space<vmem>>, vector<16xi32>,
      tpu.vector_store %arg10[%swap3A_166], %select_n3A_165 {strides = array<i32>} : memref<1024xi32, #tpu.memory_space<vmem>>, vector<16xi32>,
      %add3A_168 = arith.addf %scan3A_124, %add3A_155 : vector<16xf32>
      scf.yield %add3A_168 : vector<16xf32>
    }
    %scan3A_61 = arith.constant 8 : i32
    %scan3A_62 = arith.constant 0 : i32
    %scan3A_63 = arith.constant 8 : i32
    %scan3A_64 = arith.addi %scan3A_62, %scan3A_63 : i32
    %scan3A_65 = arith.constant 1 : i32
    %scan3A_66 = scf.for %scan3A_123 = %scan3A_62 to %scan3A_64 step %scan3A_65 iter_args(%scan3A_124 = %scan3A_60) -> (vector<16xf32>)  : i32 {
      %mul3A_125 = arith.constant 16 : i32
      %mul3A_126 = arith.muli %scan3A_123, %mul3A_125 : i32
      %mul3A_127 = arith.constant 16 : i32
      %mul3A_128 = arith.muli %scan3A_123, %mul3A_127 : i32
      %add3A_129 = arith.constant 768 : i32
      %add3A_130 = arith.addi %add3A_129, %mul3A_128 : i32
      %get3A_131 = arith.constant 0 : i32
      %get3A_132 = arith.constant 6 : i32
      %get3A_133 = arith.index_cast %get3A_131 : i32 to index
      %get3A_134 = arith.index_cast %get3A_132 : i32 to index
      %get3A_135 = arith.index_cast %mul3A_126 : i32 to index
      %get3A_136 = tpu.vector_load %arg8[%get3A_133, %get3A_134, %get3A_135] {strides = array<i32>} : memref<3x8x128xf32, #tpu.memory_space<vmem>>, vector<16xf32>,
      %bitcast3A = vector.bitcast %get3A_136 : vector<16xf32> to vector<16xi32>
      %get3A_137 = arith.constant 1 : i32
      %get3A_138 = arith.constant 6 : i32
      %get3A_139 = arith.index_cast %get3A_137 : i32 to index
      %get3A_140 = arith.index_cast %get3A_138 : i32 to index
      %get3A_141 = arith.index_cast %mul3A_126 : i32 to index
      %get3A_142 = tpu.vector_load %arg8[%get3A_139, %get3A_140, %get3A_141] {strides = array<i32>} : memref<3x8x128xf32, #tpu.memory_space<vmem>>, vector<16xf32>,
      %mul3A_143 = arith.constant 0.899999976 : f32
      %mul3A_144 = vector.broadcast %mul3A_143 : f32 to vector<16xf32>
      %mul3A_145 = arith.mulf %get3A_142, %mul3A_144 : vector<16xf32>
      %get3A_146 = arith.constant 2 : i32
      %get3A_147 = arith.constant 6 : i32
      %get3A_148 = arith.index_cast %get3A_146 : i32 to index
      %get3A_149 = arith.index_cast %get3A_147 : i32 to index
      %get3A_150 = arith.index_cast %mul3A_126 : i32 to index
      %get3A_151 = tpu.vector_load %arg8[%get3A_148, %get3A_149, %get3A_150] {strides = array<i32>} : memref<3x8x128xf32, #tpu.memory_space<vmem>>, vector<16xf32>,
      %mul3A_152 = arith.constant 1.000000e-01 : f32
      %mul3A_153 = vector.broadcast %mul3A_152 : f32 to vector<16xf32>
      %mul3A_154 = arith.mulf %get3A_151, %mul3A_153 : vector<16xf32>
      %add3A_155 = arith.addf %mul3A_145, %mul3A_154 : vector<16xf32>
      %swap3A_156 = arith.index_cast %add3A_130 : i32 to index
      %swap3A_157 = tpu.vector_load %arg9[%swap3A_156] {strides = array<i32>} : memref<1024xf32, #tpu.memory_space<vmem>>, vector<16xf32>,
      tpu.vector_store %arg9[%swap3A_156], %add3A_155 {strides = array<i32>} : memref<1024xf32, #tpu.memory_space<vmem>>, vector<16xf32>,
      %sub3A = vector.broadcast %mul3A_0 : i32 to vector<16xi32>
      %sub3A_158 = arith.subi %bitcast3A, %sub3A : vector<16xi32>
      %ge3A = arith.constant 0 : i32
      %ge3A_159 = vector.broadcast %ge3A : i32 to vector<16xi32>
      %ge3A_160 = arith.cmpi sge, %sub3A_158, %ge3A_159 : vector<16xi32>
      %lt3A = arith.constant 500000 : i32
      %lt3A_161 = vector.broadcast %lt3A : i32 to vector<16xi32>
      %lt3A_162 = arith.cmpi slt, %sub3A_158, %lt3A_161 : vector<16xi32>
      %and3A = arith.andi %ge3A_160, %lt3A_162 : vector<16xi1>
      %jit3A_163 = arith.constant 500000 : i32
      %broadcast_in_dim3A_164 = vector.broadcast %jit3A_163 : i32 to vector<16xi32>
      %select_n3A_165 = arith.select %and3A, %sub3A_158, %broadcast_in_dim3A_164 : vector<16xi1>, vector<16xi32>
      %swap3A_166 = arith.index_cast %add3A_130 : i32 to index
      %swap3A_167 = tpu.vector_load %arg10[%swap3A_166] {strides = array<i32>} : memref<1024xi32, #tpu.memory_space<vmem>>, vector<16xi32>,
      tpu.vector_store %arg10[%swap3A_166], %select_n3A_165 {strides = array<i32>} : memref<1024xi32, #tpu.memory_space<vmem>>, vector<16xi32>,
      %add3A_168 = arith.addf %scan3A_124, %add3A_155 : vector<16xf32>
      scf.yield %add3A_168 : vector<16xf32>
    }
    %scan3A_67 = arith.constant 8 : i32
    %scan3A_68 = arith.constant 0 : i32
    %scan3A_69 = arith.constant 8 : i32
    %scan3A_70 = arith.addi %scan3A_68, %scan3A_69 : i32
    %scan3A_71 = arith.constant 1 : i32
    %scan3A_72 = scf.for %scan3A_123 = %scan3A_68 to %scan3A_70 step %scan3A_71 iter_args(%scan3A_124 = %scan3A_66) -> (vector<16xf32>)  : i32 {
      %mul3A_125 = arith.constant 16 : i32
      %mul3A_126 = arith.muli %scan3A_123, %mul3A_125 : i32
      %mul3A_127 = arith.constant 16 : i32
      %mul3A_128 = arith.muli %scan3A_123, %mul3A_127 : i32
      %add3A_129 = arith.constant 896 : i32
      %add3A_130 = arith.addi %add3A_129, %mul3A_128 : i32
      %get3A_131 = arith.constant 0 : i32
      %get3A_132 = arith.constant 7 : i32
      %get3A_133 = arith.index_cast %get3A_131 : i32 to index
      %get3A_134 = arith.index_cast %get3A_132 : i32 to index
      %get3A_135 = arith.index_cast %mul3A_126 : i32 to index
      %get3A_136 = tpu.vector_load %arg8[%get3A_133, %get3A_134, %get3A_135] {strides = array<i32>} : memref<3x8x128xf32, #tpu.memory_space<vmem>>, vector<16xf32>,
      %bitcast3A = vector.bitcast %get3A_136 : vector<16xf32> to vector<16xi32>
      %get3A_137 = arith.constant 1 : i32
      %get3A_138 = arith.constant 7 : i32
      %get3A_139 = arith.index_cast %get3A_137 : i32 to index
      %get3A_140 = arith.index_cast %get3A_138 : i32 to index
      %get3A_141 = arith.index_cast %mul3A_126 : i32 to index
      %get3A_142 = tpu.vector_load %arg8[%get3A_139, %get3A_140, %get3A_141] {strides = array<i32>} : memref<3x8x128xf32, #tpu.memory_space<vmem>>, vector<16xf32>,
      %mul3A_143 = arith.constant 0.899999976 : f32
      %mul3A_144 = vector.broadcast %mul3A_143 : f32 to vector<16xf32>
      %mul3A_145 = arith.mulf %get3A_142, %mul3A_144 : vector<16xf32>
      %get3A_146 = arith.constant 2 : i32
      %get3A_147 = arith.constant 7 : i32
      %get3A_148 = arith.index_cast %get3A_146 : i32 to index
      %get3A_149 = arith.index_cast %get3A_147 : i32 to index
      %get3A_150 = arith.index_cast %mul3A_126 : i32 to index
      %get3A_151 = tpu.vector_load %arg8[%get3A_148, %get3A_149, %get3A_150] {strides = array<i32>} : memref<3x8x128xf32, #tpu.memory_space<vmem>>, vector<16xf32>,
      %mul3A_152 = arith.constant 1.000000e-01 : f32
      %mul3A_153 = vector.broadcast %mul3A_152 : f32 to vector<16xf32>
      %mul3A_154 = arith.mulf %get3A_151, %mul3A_153 : vector<16xf32>
      %add3A_155 = arith.addf %mul3A_145, %mul3A_154 : vector<16xf32>
      %swap3A_156 = arith.index_cast %add3A_130 : i32 to index
      %swap3A_157 = tpu.vector_load %arg9[%swap3A_156] {strides = array<i32>} : memref<1024xf32, #tpu.memory_space<vmem>>, vector<16xf32>,
      tpu.vector_store %arg9[%swap3A_156], %add3A_155 {strides = array<i32>} : memref<1024xf32, #tpu.memory_space<vmem>>, vector<16xf32>,
      %sub3A = vector.broadcast %mul3A_0 : i32 to vector<16xi32>
      %sub3A_158 = arith.subi %bitcast3A, %sub3A : vector<16xi32>
      %ge3A = arith.constant 0 : i32
      %ge3A_159 = vector.broadcast %ge3A : i32 to vector<16xi32>
      %ge3A_160 = arith.cmpi sge, %sub3A_158, %ge3A_159 : vector<16xi32>
      %lt3A = arith.constant 500000 : i32
      %lt3A_161 = vector.broadcast %lt3A : i32 to vector<16xi32>
      %lt3A_162 = arith.cmpi slt, %sub3A_158, %lt3A_161 : vector<16xi32>
      %and3A = arith.andi %ge3A_160, %lt3A_162 : vector<16xi1>
      %jit3A_163 = arith.constant 500000 : i32
      %broadcast_in_dim3A_164 = vector.broadcast %jit3A_163 : i32 to vector<16xi32>
      %select_n3A_165 = arith.select %and3A, %sub3A_158, %broadcast_in_dim3A_164 : vector<16xi1>, vector<16xi32>
      %swap3A_166 = arith.index_cast %add3A_130 : i32 to index
      %swap3A_167 = tpu.vector_load %arg10[%swap3A_166] {strides = array<i32>} : memref<1024xi32, #tpu.memory_space<vmem>>, vector<16xi32>,
      tpu.vector_store %arg10[%swap3A_166], %select_n3A_165 {strides = array<i32>} : memref<1024xi32, #tpu.memory_space<vmem>>, vector<16xi32>,
      %add3A_168 = arith.addf %scan3A_124, %add3A_155 : vector<16xf32>
      scf.yield %add3A_168 : vector<16xf32>
    }
    %scan3A_73 = arith.constant 8 : i32
    %iota3A_74 = tpu.iota {dimensions = array<i32: 0>} : vector<16xi32>
    %add3A_75 = arith.constant 500008 : i32
    %add3A_76 = vector.broadcast %add3A_75 : i32 to vector<16xi32>
    %add3A_77 = arith.addi %iota3A_74, %add3A_76 : vector<16xi32>
    %swap3A = arith.constant 0 : index
    %swap3A_78 = tpu.vector_load %arg14[%swap3A] {strides = array<i32>} : memref<16xi32, #tpu.memory_space<vmem>>, vector<16xi32>,
    tpu.vector_store %arg14[%swap3A], %add3A_77 {strides = array<i32>} : memref<16xi32, #tpu.memory_space<vmem>>, vector<16xi32>,
    %eq3A_79 = arith.constant 0 : i32
    %eq3A_80 = arith.cmpi eq, %arg1, %eq3A_79 : i32
    %convert_element_type3A = arith.extui %eq3A_80 : i1 to i32
    %cond3A = arith.constant 0 : i32
    %cond3A_81 = arith.cmpi ne, %convert_element_type3A, %cond3A : i32
    scf.if %cond3A_81 {
      %broadcast_in_dim3A_123 = arith.constant 0.000000e+00 : f32
      %broadcast_in_dim3A_124 = vector.broadcast %broadcast_in_dim3A_123 : f32 to vector<16xf32>
      %swap3A_125 = arith.constant 0 : index
      %swap3A_126 = tpu.vector_load %arg15[%swap3A_125] {strides = array<i32>} : memref<16xf32, #tpu.memory_space<vmem>>, vector<16xf32>,
      tpu.vector_store %arg15[%swap3A_125], %broadcast_in_dim3A_124 {strides = array<i32>} : memref<16xf32, #tpu.memory_space<vmem>>, vector<16xf32>,
      "tpu.region"() ({
        %run_scoped3A = tpu.sem_alloc : memref<!tpu.dma_semaphore, #tpu.memory_space<semaphore_mem>>
        %dma_start3A_127 = arith.constant 500008 : i32
        %dma_start3A_128 = tpu.memref_slice %arg19[%dma_start3A_127] : memref<500032xf32, #tpu.memory_space<vmem_shared>> -> memref<16xf32, #tpu.memory_space<vmem_shared>>
        %dma_start3A_129 = arith.constant 500008 : i32
        %dma_start3A_130 = tpu.memref_slice %arg19[%dma_start3A_129] : memref<500032xf32, #tpu.memory_space<vmem_shared>> -> memref<16xf32, #tpu.memory_space<vmem_shared>>
        tpu.enqueue_dma source(%arg15 : memref<16xf32, #tpu.memory_space<vmem>>) target(%dma_start3A_130 : memref<16xf32, #tpu.memory_space<vmem_shared>>) target_semaphore(%run_scoped3A : memref<!tpu.dma_semaphore, #tpu.memory_space<semaphore_mem>>)
        %dma_wait3A_131 = arith.constant 500008 : i32
        %dma_wait3A_132 = tpu.memref_slice %arg19[%dma_wait3A_131] : memref<500032xf32, #tpu.memory_space<vmem_shared>> -> memref<16xf32, #tpu.memory_space<vmem_shared>>
        %dma_wait3A_133 = arith.constant 500008 : i32
        %dma_wait3A_134 = tpu.memref_slice %arg19[%dma_wait3A_133] : memref<500032xf32, #tpu.memory_space<vmem_shared>> -> memref<16xf32, #tpu.memory_space<vmem_shared>>
        tpu.wait_dma2 semaphore(%run_scoped3A : memref<!tpu.dma_semaphore, #tpu.memory_space<semaphore_mem>>) src(%arg15 : memref<16xf32, #tpu.memory_space<vmem>>) dst(%dma_wait3A_134 : memref<16xf32, #tpu.memory_space<vmem_shared>>)
        tpu.yield
      }) : () -> ()
    } else {
    }
    %dma_wait3A = tpu.memref_slice %arg2[%add3A] : memref<1000000xf32, #tpu.memory_space<hbm>> -> memref<31248xf32, #tpu.memory_space<hbm>>
    %dma_wait3A_82 = tpu.memref_slice %arg2[%add3A] : memref<1000000xf32, #tpu.memory_space<hbm>> -> memref<31248xf32, #tpu.memory_space<hbm>>
    tpu.wait_dma2 semaphore(%arg20 : memref<!tpu.dma_semaphore, #tpu.memory_space<semaphore_mem>>) src(%dma_wait3A_82 : memref<31248xf32, #tpu.memory_space<hbm>>) dst(%arg17 : memref<31248xf32, #tpu.memory_space<vmem>>)
    "tpu.region"() ({
      %run_scoped3A = tpu.sem_alloc : memref<!tpu.dma_semaphore, #tpu.memory_space<semaphore_mem>>
      %dma_start3A_123 = tpu.memref_slice %arg19[%mul3A_4] : memref<500032xf32, #tpu.memory_space<vmem_shared>> -> memref<31248xf32, #tpu.memory_space<vmem_shared>>
      %dma_start3A_124 = tpu.memref_slice %arg19[%mul3A_4] : memref<500032xf32, #tpu.memory_space<vmem_shared>> -> memref<31248xf32, #tpu.memory_space<vmem_shared>>
      tpu.enqueue_dma source(%arg17 : memref<31248xf32, #tpu.memory_space<vmem>>) target(%dma_start3A_124 : memref<31248xf32, #tpu.memory_space<vmem_shared>>) target_semaphore(%run_scoped3A : memref<!tpu.dma_semaphore, #tpu.memory_space<semaphore_mem>>)
      %dma_wait3A_125 = tpu.memref_slice %arg19[%mul3A_4] : memref<500032xf32, #tpu.memory_space<vmem_shared>> -> memref<31248xf32, #tpu.memory_space<vmem_shared>>
      %dma_wait3A_126 = tpu.memref_slice %arg19[%mul3A_4] : memref<500032xf32, #tpu.memory_space<vmem_shared>> -> memref<31248xf32, #tpu.memory_space<vmem_shared>>
      tpu.wait_dma2 semaphore(%run_scoped3A : memref<!tpu.dma_semaphore, #tpu.memory_space<semaphore_mem>>) src(%arg17 : memref<31248xf32, #tpu.memory_space<vmem>>) dst(%dma_wait3A_126 : memref<31248xf32, #tpu.memory_space<vmem_shared>>)
      tpu.yield
    }) : () -> ()
    %eq3A_83 = arith.constant 15 : i32
    %eq3A_84 = arith.cmpi eq, %arg1, %eq3A_83 : i32
    %convert_element_type3A_85 = arith.extui %eq3A_84 : i1 to i32
    %cond3A_86 = arith.constant 0 : i32
    %cond3A_87 = arith.cmpi ne, %convert_element_type3A_85, %cond3A_86 : i32
    scf.if %cond3A_87 {
      %add3A_123 = arith.constant 499968 : i32
      %add3A_124 = arith.addi %mul3A_0, %add3A_123 : i32
      "tpu.region"() ({
        %run_scoped3A = tpu.sem_alloc : memref<!tpu.dma_semaphore, #tpu.memory_space<semaphore_mem>>
        %dma_start3A_125 = tpu.memref_slice %arg2[%add3A_124] : memref<1000000xf32, #tpu.memory_space<hbm>> -> memref<32xf32, #tpu.memory_space<hbm>>
        %dma_start3A_126 = tpu.memref_slice %arg2[%add3A_124] : memref<1000000xf32, #tpu.memory_space<hbm>> -> memref<32xf32, #tpu.memory_space<hbm>>
        tpu.enqueue_dma source(%dma_start3A_126 : memref<32xf32, #tpu.memory_space<hbm>>) target(%arg18 : memref<32xf32, #tpu.memory_space<vmem>>) target_semaphore(%run_scoped3A : memref<!tpu.dma_semaphore, #tpu.memory_space<semaphore_mem>>)
        %dma_wait3A_127 = tpu.memref_slice %arg2[%add3A_124] : memref<1000000xf32, #tpu.memory_space<hbm>> -> memref<32xf32, #tpu.memory_space<hbm>>
        %dma_wait3A_128 = tpu.memref_slice %arg2[%add3A_124] : memref<1000000xf32, #tpu.memory_space<hbm>> -> memref<32xf32, #tpu.memory_space<hbm>>
        tpu.wait_dma2 semaphore(%run_scoped3A : memref<!tpu.dma_semaphore, #tpu.memory_space<semaphore_mem>>) src(%dma_wait3A_128 : memref<32xf32, #tpu.memory_space<hbm>>) dst(%arg18 : memref<32xf32, #tpu.memory_space<vmem>>)
        tpu.yield
      }) : () -> ()
      "tpu.region"() ({
        %run_scoped3A = tpu.sem_alloc : memref<!tpu.dma_semaphore, #tpu.memory_space<semaphore_mem>>
        %dma_start3A_125 = arith.constant 499968 : i32
        %dma_start3A_126 = tpu.memref_slice %arg19[%dma_start3A_125] : memref<500032xf32, #tpu.memory_space<vmem_shared>> -> memref<32xf32, #tpu.memory_space<vmem_shared>>
        %dma_start3A_127 = arith.constant 499968 : i32
        %dma_start3A_128 = tpu.memref_slice %arg19[%dma_start3A_127] : memref<500032xf32, #tpu.memory_space<vmem_shared>> -> memref<32xf32, #tpu.memory_space<vmem_shared>>
        tpu.enqueue_dma source(%arg18 : memref<32xf32, #tpu.memory_space<vmem>>) target(%dma_start3A_128 : memref<32xf32, #tpu.memory_space<vmem_shared>>) target_semaphore(%run_scoped3A : memref<!tpu.dma_semaphore, #tpu.memory_space<semaphore_mem>>)
        %dma_wait3A_129 = arith.constant 499968 : i32
        %dma_wait3A_130 = tpu.memref_slice %arg19[%dma_wait3A_129] : memref<500032xf32, #tpu.memory_space<vmem_shared>> -> memref<32xf32, #tpu.memory_space<vmem_shared>>
        %dma_wait3A_131 = arith.constant 499968 : i32
        %dma_wait3A_132 = tpu.memref_slice %arg19[%dma_wait3A_131] : memref<500032xf32, #tpu.memory_space<vmem_shared>> -> memref<32xf32, #tpu.memory_space<vmem_shared>>
        tpu.wait_dma2 semaphore(%run_scoped3A : memref<!tpu.dma_semaphore, #tpu.memory_space<semaphore_mem>>) src(%arg18 : memref<32xf32, #tpu.memory_space<vmem>>) dst(%dma_wait3A_132 : memref<32xf32, #tpu.memory_space<vmem_shared>>)
        tpu.yield
      }) : () -> ()
    } else {
    }
    %barrier3A = arith.constant 0 : index
    tpu.barrier barrier_id(%barrier3A)
    %swap3A_88 = arith.constant 0 : index
    %swap3A_89 = tpu.vector_load %arg13[%swap3A_88] {strides = array<i32>} : memref<16xf32, #tpu.memory_space<vmem>>, vector<16xf32>,
    tpu.vector_store %arg13[%swap3A_88], %scan3A_72 {strides = array<i32>} : memref<16xf32, #tpu.memory_space<vmem>>, vector<16xf32>,
    "tpu.region"() ({
      %run_scoped3A = tpu.sem_alloc : memref<!tpu.dma_semaphore, #tpu.memory_space<semaphore_mem>>
      %dma_start3A_123 = arith.constant 0 : i32
      %dma_start3A_124 = tpu.memref_slice %arg19[%dma_start3A_123] : memref<500032xf32, #tpu.memory_space<vmem_shared>> -> memref<500032xf32, #tpu.memory_space<vmem_shared>>
      tpu.enqueue_indirect_dma source(%arg13 : memref<16xf32, #tpu.memory_space<vmem>>) target(%dma_start3A_124 : memref<500032xf32, #tpu.memory_space<vmem_shared>>) offsets(%arg14 : memref<16xi32, #tpu.memory_space<vmem>>) semaphore(%run_scoped3A : memref<!tpu.dma_semaphore, #tpu.memory_space<semaphore_mem>>) {add = true}
      %dma_wait3A_125 = arith.constant 0 : i32
      %dma_wait3A_126 = tpu.memref_slice %arg19[%dma_wait3A_125] : memref<500032xf32, #tpu.memory_space<vmem_shared>> -> memref<500032xf32, #tpu.memory_space<vmem_shared>>
      tpu.wait_indirect_dma semaphore(%run_scoped3A : memref<!tpu.dma_semaphore, #tpu.memory_space<semaphore_mem>>) src(%arg13 : memref<16xf32, #tpu.memory_space<vmem>>) dst(%dma_wait3A_126 : memref<500032xf32, #tpu.memory_space<vmem_shared>>)
      tpu.yield
    }) : () -> ()
    "tpu.region"() ({
      %run_scoped3A = tpu.sem_alloc : memref<!tpu.dma_semaphore, #tpu.memory_space<semaphore_mem>>
      %dma_start3A_123 = arith.constant 0 : i32
      %dma_start3A_124 = tpu.memref_slice %arg19[%dma_start3A_123] : memref<500032xf32, #tpu.memory_space<vmem_shared>> -> memref<500032xf32, #tpu.memory_space<vmem_shared>>
      tpu.enqueue_indirect_dma source(%arg9 : memref<1024xf32, #tpu.memory_space<vmem>>) target(%dma_start3A_124 : memref<500032xf32, #tpu.memory_space<vmem_shared>>) offsets(%arg10 : memref<1024xi32, #tpu.memory_space<vmem>>) semaphore(%run_scoped3A : memref<!tpu.dma_semaphore, #tpu.memory_space<semaphore_mem>>)
      %dma_wait3A_125 = arith.constant 0 : i32
      %dma_wait3A_126 = tpu.memref_slice %arg19[%dma_wait3A_125] : memref<500032xf32, #tpu.memory_space<vmem_shared>> -> memref<500032xf32, #tpu.memory_space<vmem_shared>>
      tpu.wait_indirect_dma semaphore(%run_scoped3A : memref<!tpu.dma_semaphore, #tpu.memory_space<semaphore_mem>>) src(%arg9 : memref<1024xf32, #tpu.memory_space<vmem>>) dst(%dma_wait3A_126 : memref<500032xf32, #tpu.memory_space<vmem_shared>>)
      tpu.yield
    }) : () -> ()
    %barrier3A_90 = arith.constant 0 : index
    tpu.barrier barrier_id(%barrier3A_90)
    "tpu.region"() ({
      %run_scoped3A = tpu.sem_alloc : memref<!tpu.dma_semaphore, #tpu.memory_space<semaphore_mem>>
      %dma_start3A_123 = tpu.memref_slice %arg19[%mul3A_4] : memref<500032xf32, #tpu.memory_space<vmem_shared>> -> memref<31248xf32, #tpu.memory_space<vmem_shared>>
      %dma_start3A_124 = tpu.memref_slice %arg19[%mul3A_4] : memref<500032xf32, #tpu.memory_space<vmem_shared>> -> memref<31248xf32, #tpu.memory_space<vmem_shared>>
      tpu.enqueue_dma source(%dma_start3A_124 : memref<31248xf32, #tpu.memory_space<vmem_shared>>) target(%arg17 : memref<31248xf32, #tpu.memory_space<vmem>>) target_semaphore(%run_scoped3A : memref<!tpu.dma_semaphore, #tpu.memory_space<semaphore_mem>>)
      %dma_wait3A_125 = tpu.memref_slice %arg19[%mul3A_4] : memref<500032xf32, #tpu.memory_space<vmem_shared>> -> memref<31248xf32, #tpu.memory_space<vmem_shared>>
      %dma_wait3A_126 = tpu.memref_slice %arg19[%mul3A_4] : memref<500032xf32, #tpu.memory_space<vmem_shared>> -> memref<31248xf32, #tpu.memory_space<vmem_shared>>
      tpu.wait_dma2 semaphore(%run_scoped3A : memref<!tpu.dma_semaphore, #tpu.memory_space<semaphore_mem>>) src(%dma_wait3A_126 : memref<31248xf32, #tpu.memory_space<vmem_shared>>) dst(%arg17 : memref<31248xf32, #tpu.memory_space<vmem>>)
      tpu.yield
    }) : () -> ()
    %add3A_91 = arith.addi %mul3A_0, %mul3A_4 : i32
    %dma_start3A_92 = tpu.memref_slice %arg7[%add3A_91] : memref<1000000xf32, #tpu.memory_space<hbm>> -> memref<31248xf32, #tpu.memory_space<hbm>>
    %dma_start3A_93 = tpu.memref_slice %arg7[%add3A_91] : memref<1000000xf32, #tpu.memory_space<hbm>> -> memref<31248xf32, #tpu.memory_space<hbm>>
    tpu.enqueue_dma source(%arg17 : memref<31248xf32, #tpu.memory_space<vmem>>) target(%dma_start3A_93 : memref<31248xf32, #tpu.memory_space<hbm>>) target_semaphore(%arg20 : memref<!tpu.dma_semaphore, #tpu.memory_space<semaphore_mem>>)
    %eq3A_94 = arith.constant 15 : i32
    %eq3A_95 = arith.cmpi eq, %arg1, %eq3A_94 : i32
    %convert_element_type3A_96 = arith.extui %eq3A_95 : i1 to i32
    %cond3A_97 = arith.constant 0 : i32
    %cond3A_98 = arith.cmpi ne, %convert_element_type3A_96, %cond3A_97 : i32
    scf.if %cond3A_98 {
      "tpu.region"() ({
        %run_scoped3A = tpu.sem_alloc : memref<!tpu.dma_semaphore, #tpu.memory_space<semaphore_mem>>
        %dma_start3A_125 = arith.constant 499968 : i32
        %dma_start3A_126 = tpu.memref_slice %arg19[%dma_start3A_125] : memref<500032xf32, #tpu.memory_space<vmem_shared>> -> memref<32xf32, #tpu.memory_space<vmem_shared>>
        %dma_start3A_127 = arith.constant 499968 : i32
        %dma_start3A_128 = tpu.memref_slice %arg19[%dma_start3A_127] : memref<500032xf32, #tpu.memory_space<vmem_shared>> -> memref<32xf32, #tpu.memory_space<vmem_shared>>
        tpu.enqueue_dma source(%dma_start3A_128 : memref<32xf32, #tpu.memory_space<vmem_shared>>) target(%arg18 : memref<32xf32, #tpu.memory_space<vmem>>) target_semaphore(%run_scoped3A : memref<!tpu.dma_semaphore, #tpu.memory_space<semaphore_mem>>)
        %dma_wait3A_129 = arith.constant 499968 : i32
        %dma_wait3A_130 = tpu.memref_slice %arg19[%dma_wait3A_129] : memref<500032xf32, #tpu.memory_space<vmem_shared>> -> memref<32xf32, #tpu.memory_space<vmem_shared>>
        %dma_wait3A_131 = arith.constant 499968 : i32
        %dma_wait3A_132 = tpu.memref_slice %arg19[%dma_wait3A_131] : memref<500032xf32, #tpu.memory_space<vmem_shared>> -> memref<32xf32, #tpu.memory_space<vmem_shared>>
        tpu.wait_dma2 semaphore(%run_scoped3A : memref<!tpu.dma_semaphore, #tpu.memory_space<semaphore_mem>>) src(%dma_wait3A_132 : memref<32xf32, #tpu.memory_space<vmem_shared>>) dst(%arg18 : memref<32xf32, #tpu.memory_space<vmem>>)
        tpu.yield
      }) : () -> ()
      %add3A_123 = arith.constant 499968 : i32
      %add3A_124 = arith.addi %mul3A_0, %add3A_123 : i32
      "tpu.region"() ({
        %run_scoped3A = tpu.sem_alloc : memref<!tpu.dma_semaphore, #tpu.memory_space<semaphore_mem>>
        %dma_start3A_125 = tpu.memref_slice %arg7[%add3A_124] : memref<1000000xf32, #tpu.memory_space<hbm>> -> memref<32xf32, #tpu.memory_space<hbm>>
        %dma_start3A_126 = tpu.memref_slice %arg7[%add3A_124] : memref<1000000xf32, #tpu.memory_space<hbm>> -> memref<32xf32, #tpu.memory_space<hbm>>
        tpu.enqueue_dma source(%arg18 : memref<32xf32, #tpu.memory_space<vmem>>) target(%dma_start3A_126 : memref<32xf32, #tpu.memory_space<hbm>>) target_semaphore(%run_scoped3A : memref<!tpu.dma_semaphore, #tpu.memory_space<semaphore_mem>>)
        %dma_wait3A_127 = tpu.memref_slice %arg7[%add3A_124] : memref<1000000xf32, #tpu.memory_space<hbm>> -> memref<32xf32, #tpu.memory_space<hbm>>
        %dma_wait3A_128 = tpu.memref_slice %arg7[%add3A_124] : memref<1000000xf32, #tpu.memory_space<hbm>> -> memref<32xf32, #tpu.memory_space<hbm>>
        tpu.wait_dma2 semaphore(%run_scoped3A : memref<!tpu.dma_semaphore, #tpu.memory_space<semaphore_mem>>) src(%arg18 : memref<32xf32, #tpu.memory_space<vmem>>) dst(%dma_wait3A_128 : memref<32xf32, #tpu.memory_space<hbm>>)
        tpu.yield
      }) : () -> ()
    } else {
    }
    "tpu.region"() ({
      %run_scoped3A = tpu.sem_alloc : memref<!tpu.dma_semaphore, #tpu.memory_space<semaphore_mem>>
      %dma_start3A_123 = arith.constant 500008 : i32
      %dma_start3A_124 = tpu.memref_slice %arg19[%dma_start3A_123] : memref<500032xf32, #tpu.memory_space<vmem_shared>> -> memref<16xf32, #tpu.memory_space<vmem_shared>>
      %dma_start3A_125 = arith.constant 500008 : i32
      %dma_start3A_126 = tpu.memref_slice %arg19[%dma_start3A_125] : memref<500032xf32, #tpu.memory_space<vmem_shared>> -> memref<16xf32, #tpu.memory_space<vmem_shared>>
      tpu.enqueue_dma source(%dma_start3A_126 : memref<16xf32, #tpu.memory_space<vmem_shared>>) target(%arg15 : memref<16xf32, #tpu.memory_space<vmem>>) target_semaphore(%run_scoped3A : memref<!tpu.dma_semaphore, #tpu.memory_space<semaphore_mem>>)
      %dma_wait3A_127 = arith.constant 500008 : i32
      %dma_wait3A_128 = tpu.memref_slice %arg19[%dma_wait3A_127] : memref<500032xf32, #tpu.memory_space<vmem_shared>> -> memref<16xf32, #tpu.memory_space<vmem_shared>>
      %dma_wait3A_129 = arith.constant 500008 : i32
      %dma_wait3A_130 = tpu.memref_slice %arg19[%dma_wait3A_129] : memref<500032xf32, #tpu.memory_space<vmem_shared>> -> memref<16xf32, #tpu.memory_space<vmem_shared>>
      tpu.wait_dma2 semaphore(%run_scoped3A : memref<!tpu.dma_semaphore, #tpu.memory_space<semaphore_mem>>) src(%dma_wait3A_130 : memref<16xf32, #tpu.memory_space<vmem_shared>>) dst(%arg15 : memref<16xf32, #tpu.memory_space<vmem>>)
      tpu.yield
    }) : () -> ()
    %get3A_99 = arith.constant 0 : index
    %get3A_100 = tpu.vector_load %arg15[%get3A_99] {strides = array<i32>} : memref<16xf32, #tpu.memory_space<vmem>>, vector<16xf32>,
    %reduce_sum3A_101 = arith.constant true
    %reduce_sum3A_102 = vector.broadcast %reduce_sum3A_101 : i1 to vector<16xi1>
    %reduce_sum3A_103 = tpu.scan <sum>, %get3A_100 masked %reduce_sum3A_102 : vector<16xf32>, vector<16xi1> -> vector<16xf32>
    %reduce_sum3A_104 = vector.extract %reduce_sum3A_103[15] : f32 from vector<16xf32>
    %mul3A_105 = arith.mulf %reduce_sum3A_104, %reduce_sum3A_14 : f32
    %mul3A_106 = arith.constant 6.10351563E-5 : f32
    %mul3A_107 = arith.mulf %mul3A_105, %mul3A_106 : f32
    %eq3A_108 = arith.constant 0 : i32
    %eq3A_109 = arith.cmpi eq, %arg0, %eq3A_108 : i32
    %convert_element_type3A_110 = arith.extui %eq3A_109 : i1 to i32
    %cond3A_111 = arith.constant 0 : i32
    %cond3A_112 = arith.cmpi ne, %convert_element_type3A_110, %cond3A_111 : i32
    scf.if %cond3A_112 {
      %scan3A_123 = arith.constant 0 : i32
      %scan3A_124 = arith.constant 0 : i32
      %scan3A_125 = arith.constant 8 : i32
      %scan3A_126 = arith.addi %scan3A_124, %scan3A_125 : i32
      %scan3A_127 = arith.constant 1 : i32
      scf.for %scan3A_147 = %scan3A_124 to %scan3A_126 step %scan3A_127  : i32 {
        %mul3A_148 = arith.constant 16 : i32
        %mul3A_149 = arith.muli %scan3A_147, %mul3A_148 : i32
        %mul3A_150 = arith.constant 16 : i32
        %mul3A_151 = arith.muli %scan3A_147, %mul3A_150 : i32
        %add3A_152 = arith.constant 0 : i32
        %add3A_153 = arith.addi %add3A_152, %mul3A_151 : i32
        %get3A_154 = arith.index_cast %add3A_153 : i32 to index
        %get3A_155 = tpu.vector_load %arg9[%get3A_154] {strides = array<i32>} : memref<1024xf32, #tpu.memory_space<vmem>>, vector<16xf32>,
        %mul3A_156 = vector.broadcast %reduce_sum3A_14 : f32 to vector<16xf32>
        %mul3A_157 = arith.mulf %get3A_155, %mul3A_156 : vector<16xf32>
        %sub3A = vector.broadcast %mul3A_107 : f32 to vector<16xf32>
        %sub3A_158 = arith.subf %mul3A_157, %sub3A : vector<16xf32>
        %mul3A_159 = vector.broadcast %reduce_sum3A_24 : f32 to vector<16xf32>
        %mul3A_160 = arith.mulf %sub3A_158, %mul3A_159 : vector<16xf32>
        %get3A_161 = arith.constant 0 : i32
        %get3A_162 = arith.index_cast %get3A_161 : i32 to index
        %get3A_163 = arith.index_cast %mul3A_149 : i32 to index
        %get3A_164 = tpu.vector_load %arg11[%get3A_162, %get3A_163] {strides = array<i32>} : memref<4x128xf32, #tpu.memory_space<vmem>>, vector<16xf32>,
        %div3A = arith.divf %mul3A_160, %get3A_164 : vector<16xf32>
        %swap3A_165 = arith.constant 0 : i32
        %swap3A_166 = arith.index_cast %swap3A_165 : i32 to index
        %swap3A_167 = arith.index_cast %mul3A_149 : i32 to index
        %swap3A_168 = tpu.vector_load %arg12[%swap3A_166, %swap3A_167] {strides = array<i32>} : memref<4x128xf32, #tpu.memory_space<vmem>>, vector<16xf32>,
        tpu.vector_store %arg12[%swap3A_166, %swap3A_167], %div3A {strides = array<i32>} : memref<4x128xf32, #tpu.memory_space<vmem>>, vector<16xf32>,
      }
      %scan3A_128 = arith.constant 8 : i32
      %scan3A_129 = arith.constant 0 : i32
      %scan3A_130 = arith.constant 0 : i32
      %scan3A_131 = arith.constant 8 : i32
      %scan3A_132 = arith.addi %scan3A_130, %scan3A_131 : i32
      %scan3A_133 = arith.constant 1 : i32
      scf.for %scan3A_147 = %scan3A_130 to %scan3A_132 step %scan3A_133  : i32 {
        %mul3A_148 = arith.constant 16 : i32
        %mul3A_149 = arith.muli %scan3A_147, %mul3A_148 : i32
        %mul3A_150 = arith.constant 16 : i32
        %mul3A_151 = arith.muli %scan3A_147, %mul3A_150 : i32
        %add3A_152 = arith.constant 128 : i32
        %add3A_153 = arith.addi %add3A_152, %mul3A_151 : i32
        %get3A_154 = arith.index_cast %add3A_153 : i32 to index
        %get3A_155 = tpu.vector_load %arg9[%get3A_154] {strides = array<i32>} : memref<1024xf32, #tpu.memory_space<vmem>>, vector<16xf32>,
        %mul3A_156 = vector.broadcast %reduce_sum3A_14 : f32 to vector<16xf32>
        %mul3A_157 = arith.mulf %get3A_155, %mul3A_156 : vector<16xf32>
        %sub3A = vector.broadcast %mul3A_107 : f32 to vector<16xf32>
        %sub3A_158 = arith.subf %mul3A_157, %sub3A : vector<16xf32>
        %mul3A_159 = vector.broadcast %reduce_sum3A_24 : f32 to vector<16xf32>
        %mul3A_160 = arith.mulf %sub3A_158, %mul3A_159 : vector<16xf32>
        %get3A_161 = arith.constant 1 : i32
        %get3A_162 = arith.index_cast %get3A_161 : i32 to index
        %get3A_163 = arith.index_cast %mul3A_149 : i32 to index
        %get3A_164 = tpu.vector_load %arg11[%get3A_162, %get3A_163] {strides = array<i32>} : memref<4x128xf32, #tpu.memory_space<vmem>>, vector<16xf32>,
        %div3A = arith.divf %mul3A_160, %get3A_164 : vector<16xf32>
        %swap3A_165 = arith.constant 1 : i32
        %swap3A_166 = arith.index_cast %swap3A_165 : i32 to index
        %swap3A_167 = arith.index_cast %mul3A_149 : i32 to index
        %swap3A_168 = tpu.vector_load %arg12[%swap3A_166, %swap3A_167] {strides = array<i32>} : memref<4x128xf32, #tpu.memory_space<vmem>>, vector<16xf32>,
        tpu.vector_store %arg12[%swap3A_166, %swap3A_167], %div3A {strides = array<i32>} : memref<4x128xf32, #tpu.memory_space<vmem>>, vector<16xf32>,
      }
      %scan3A_134 = arith.constant 8 : i32
      %scan3A_135 = arith.constant 0 : i32
      %scan3A_136 = arith.constant 0 : i32
      %scan3A_137 = arith.constant 8 : i32
      %scan3A_138 = arith.addi %scan3A_136, %scan3A_137 : i32
      %scan3A_139 = arith.constant 1 : i32
      scf.for %scan3A_147 = %scan3A_136 to %scan3A_138 step %scan3A_139  : i32 {
        %mul3A_148 = arith.constant 16 : i32
        %mul3A_149 = arith.muli %scan3A_147, %mul3A_148 : i32
        %mul3A_150 = arith.constant 16 : i32
        %mul3A_151 = arith.muli %scan3A_147, %mul3A_150 : i32
        %add3A_152 = arith.constant 256 : i32
        %add3A_153 = arith.addi %add3A_152, %mul3A_151 : i32
        %get3A_154 = arith.index_cast %add3A_153 : i32 to index
        %get3A_155 = tpu.vector_load %arg9[%get3A_154] {strides = array<i32>} : memref<1024xf32, #tpu.memory_space<vmem>>, vector<16xf32>,
        %mul3A_156 = vector.broadcast %reduce_sum3A_14 : f32 to vector<16xf32>
        %mul3A_157 = arith.mulf %get3A_155, %mul3A_156 : vector<16xf32>
        %sub3A = vector.broadcast %mul3A_107 : f32 to vector<16xf32>
        %sub3A_158 = arith.subf %mul3A_157, %sub3A : vector<16xf32>
        %mul3A_159 = vector.broadcast %reduce_sum3A_24 : f32 to vector<16xf32>
        %mul3A_160 = arith.mulf %sub3A_158, %mul3A_159 : vector<16xf32>
        %get3A_161 = arith.constant 2 : i32
        %get3A_162 = arith.index_cast %get3A_161 : i32 to index
        %get3A_163 = arith.index_cast %mul3A_149 : i32 to index
        %get3A_164 = tpu.vector_load %arg11[%get3A_162, %get3A_163] {strides = array<i32>} : memref<4x128xf32, #tpu.memory_space<vmem>>, vector<16xf32>,
        %div3A = arith.divf %mul3A_160, %get3A_164 : vector<16xf32>
        %swap3A_165 = arith.constant 2 : i32
        %swap3A_166 = arith.index_cast %swap3A_165 : i32 to index
        %swap3A_167 = arith.index_cast %mul3A_149 : i32 to index
        %swap3A_168 = tpu.vector_load %arg12[%swap3A_166, %swap3A_167] {strides = array<i32>} : memref<4x128xf32, #tpu.memory_space<vmem>>, vector<16xf32>,
        tpu.vector_store %arg12[%swap3A_166, %swap3A_167], %div3A {strides = array<i32>} : memref<4x128xf32, #tpu.memory_space<vmem>>, vector<16xf32>,
      }
      %scan3A_140 = arith.constant 8 : i32
      %scan3A_141 = arith.constant 0 : i32
      %scan3A_142 = arith.constant 0 : i32
      %scan3A_143 = arith.constant 8 : i32
      %scan3A_144 = arith.addi %scan3A_142, %scan3A_143 : i32
      %scan3A_145 = arith.constant 1 : i32
      scf.for %scan3A_147 = %scan3A_142 to %scan3A_144 step %scan3A_145  : i32 {
        %mul3A_148 = arith.constant 16 : i32
        %mul3A_149 = arith.muli %scan3A_147, %mul3A_148 : i32
        %mul3A_150 = arith.constant 16 : i32
        %mul3A_151 = arith.muli %scan3A_147, %mul3A_150 : i32
        %add3A_152 = arith.constant 384 : i32
        %add3A_153 = arith.addi %add3A_152, %mul3A_151 : i32
        %get3A_154 = arith.index_cast %add3A_153 : i32 to index
        %get3A_155 = tpu.vector_load %arg9[%get3A_154] {strides = array<i32>} : memref<1024xf32, #tpu.memory_space<vmem>>, vector<16xf32>,
        %mul3A_156 = vector.broadcast %reduce_sum3A_14 : f32 to vector<16xf32>
        %mul3A_157 = arith.mulf %get3A_155, %mul3A_156 : vector<16xf32>
        %sub3A = vector.broadcast %mul3A_107 : f32 to vector<16xf32>
        %sub3A_158 = arith.subf %mul3A_157, %sub3A : vector<16xf32>
        %mul3A_159 = vector.broadcast %reduce_sum3A_24 : f32 to vector<16xf32>
        %mul3A_160 = arith.mulf %sub3A_158, %mul3A_159 : vector<16xf32>
        %get3A_161 = arith.constant 3 : i32
        %get3A_162 = arith.index_cast %get3A_161 : i32 to index
        %get3A_163 = arith.index_cast %mul3A_149 : i32 to index
        %get3A_164 = tpu.vector_load %arg11[%get3A_162, %get3A_163] {strides = array<i32>} : memref<4x128xf32, #tpu.memory_space<vmem>>, vector<16xf32>,
        %div3A = arith.divf %mul3A_160, %get3A_164 : vector<16xf32>
        %swap3A_165 = arith.constant 3 : i32
        %swap3A_166 = arith.index_cast %swap3A_165 : i32 to index
        %swap3A_167 = arith.index_cast %mul3A_149 : i32 to index
        %swap3A_168 = tpu.vector_load %arg12[%swap3A_166, %swap3A_167] {strides = array<i32>} : memref<4x128xf32, #tpu.memory_space<vmem>>, vector<16xf32>,
        tpu.vector_store %arg12[%swap3A_166, %swap3A_167], %div3A {strides = array<i32>} : memref<4x128xf32, #tpu.memory_space<vmem>>, vector<16xf32>,
      }
      %scan3A_146 = arith.constant 8 : i32
    } else {
    }
    %eq3A_113 = arith.constant 1 : i32
    %eq3A_114 = arith.cmpi eq, %arg0, %eq3A_113 : i32
    %convert_element_type3A_115 = arith.extui %eq3A_114 : i1 to i32
    %cond3A_116 = arith.constant 0 : i32
    %cond3A_117 = arith.cmpi ne, %convert_element_type3A_115, %cond3A_116 : i32
    scf.if %cond3A_117 {
      %scan3A_123 = arith.constant 0 : i32
      %scan3A_124 = arith.constant 0 : i32
      %scan3A_125 = arith.constant 8 : i32
      %scan3A_126 = arith.addi %scan3A_124, %scan3A_125 : i32
      %scan3A_127 = arith.constant 1 : i32
      scf.for %scan3A_147 = %scan3A_124 to %scan3A_126 step %scan3A_127  : i32 {
        %mul3A_148 = arith.constant 16 : i32
        %mul3A_149 = arith.muli %scan3A_147, %mul3A_148 : i32
        %mul3A_150 = arith.constant 16 : i32
        %mul3A_151 = arith.muli %scan3A_147, %mul3A_150 : i32
        %add3A_152 = arith.constant 512 : i32
        %add3A_153 = arith.addi %add3A_152, %mul3A_151 : i32
        %get3A_154 = arith.index_cast %add3A_153 : i32 to index
        %get3A_155 = tpu.vector_load %arg9[%get3A_154] {strides = array<i32>} : memref<1024xf32, #tpu.memory_space<vmem>>, vector<16xf32>,
        %mul3A_156 = vector.broadcast %reduce_sum3A_14 : f32 to vector<16xf32>
        %mul3A_157 = arith.mulf %get3A_155, %mul3A_156 : vector<16xf32>
        %sub3A = vector.broadcast %mul3A_107 : f32 to vector<16xf32>
        %sub3A_158 = arith.subf %mul3A_157, %sub3A : vector<16xf32>
        %mul3A_159 = vector.broadcast %reduce_sum3A_24 : f32 to vector<16xf32>
        %mul3A_160 = arith.mulf %sub3A_158, %mul3A_159 : vector<16xf32>
        %get3A_161 = arith.constant 0 : i32
        %get3A_162 = arith.index_cast %get3A_161 : i32 to index
        %get3A_163 = arith.index_cast %mul3A_149 : i32 to index
        %get3A_164 = tpu.vector_load %arg11[%get3A_162, %get3A_163] {strides = array<i32>} : memref<4x128xf32, #tpu.memory_space<vmem>>, vector<16xf32>,
        %div3A = arith.divf %mul3A_160, %get3A_164 : vector<16xf32>
        %swap3A_165 = arith.constant 0 : i32
        %swap3A_166 = arith.index_cast %swap3A_165 : i32 to index
        %swap3A_167 = arith.index_cast %mul3A_149 : i32 to index
        %swap3A_168 = tpu.vector_load %arg12[%swap3A_166, %swap3A_167] {strides = array<i32>} : memref<4x128xf32, #tpu.memory_space<vmem>>, vector<16xf32>,
        tpu.vector_store %arg12[%swap3A_166, %swap3A_167], %div3A {strides = array<i32>} : memref<4x128xf32, #tpu.memory_space<vmem>>, vector<16xf32>,
      }
      %scan3A_128 = arith.constant 8 : i32
      %scan3A_129 = arith.constant 0 : i32
      %scan3A_130 = arith.constant 0 : i32
      %scan3A_131 = arith.constant 8 : i32
      %scan3A_132 = arith.addi %scan3A_130, %scan3A_131 : i32
      %scan3A_133 = arith.constant 1 : i32
      scf.for %scan3A_147 = %scan3A_130 to %scan3A_132 step %scan3A_133  : i32 {
        %mul3A_148 = arith.constant 16 : i32
        %mul3A_149 = arith.muli %scan3A_147, %mul3A_148 : i32
        %mul3A_150 = arith.constant 16 : i32
        %mul3A_151 = arith.muli %scan3A_147, %mul3A_150 : i32
        %add3A_152 = arith.constant 640 : i32
        %add3A_153 = arith.addi %add3A_152, %mul3A_151 : i32
        %get3A_154 = arith.index_cast %add3A_153 : i32 to index
        %get3A_155 = tpu.vector_load %arg9[%get3A_154] {strides = array<i32>} : memref<1024xf32, #tpu.memory_space<vmem>>, vector<16xf32>,
        %mul3A_156 = vector.broadcast %reduce_sum3A_14 : f32 to vector<16xf32>
        %mul3A_157 = arith.mulf %get3A_155, %mul3A_156 : vector<16xf32>
        %sub3A = vector.broadcast %mul3A_107 : f32 to vector<16xf32>
        %sub3A_158 = arith.subf %mul3A_157, %sub3A : vector<16xf32>
        %mul3A_159 = vector.broadcast %reduce_sum3A_24 : f32 to vector<16xf32>
        %mul3A_160 = arith.mulf %sub3A_158, %mul3A_159 : vector<16xf32>
        %get3A_161 = arith.constant 1 : i32
        %get3A_162 = arith.index_cast %get3A_161 : i32 to index
        %get3A_163 = arith.index_cast %mul3A_149 : i32 to index
        %get3A_164 = tpu.vector_load %arg11[%get3A_162, %get3A_163] {strides = array<i32>} : memref<4x128xf32, #tpu.memory_space<vmem>>, vector<16xf32>,
        %div3A = arith.divf %mul3A_160, %get3A_164 : vector<16xf32>
        %swap3A_165 = arith.constant 1 : i32
        %swap3A_166 = arith.index_cast %swap3A_165 : i32 to index
        %swap3A_167 = arith.index_cast %mul3A_149 : i32 to index
        %swap3A_168 = tpu.vector_load %arg12[%swap3A_166, %swap3A_167] {strides = array<i32>} : memref<4x128xf32, #tpu.memory_space<vmem>>, vector<16xf32>,
        tpu.vector_store %arg12[%swap3A_166, %swap3A_167], %div3A {strides = array<i32>} : memref<4x128xf32, #tpu.memory_space<vmem>>, vector<16xf32>,
      }
      %scan3A_134 = arith.constant 8 : i32
      %scan3A_135 = arith.constant 0 : i32
      %scan3A_136 = arith.constant 0 : i32
      %scan3A_137 = arith.constant 8 : i32
      %scan3A_138 = arith.addi %scan3A_136, %scan3A_137 : i32
      %scan3A_139 = arith.constant 1 : i32
      scf.for %scan3A_147 = %scan3A_136 to %scan3A_138 step %scan3A_139  : i32 {
        %mul3A_148 = arith.constant 16 : i32
        %mul3A_149 = arith.muli %scan3A_147, %mul3A_148 : i32
        %mul3A_150 = arith.constant 16 : i32
        %mul3A_151 = arith.muli %scan3A_147, %mul3A_150 : i32
        %add3A_152 = arith.constant 768 : i32
        %add3A_153 = arith.addi %add3A_152, %mul3A_151 : i32
        %get3A_154 = arith.index_cast %add3A_153 : i32 to index
        %get3A_155 = tpu.vector_load %arg9[%get3A_154] {strides = array<i32>} : memref<1024xf32, #tpu.memory_space<vmem>>, vector<16xf32>,
        %mul3A_156 = vector.broadcast %reduce_sum3A_14 : f32 to vector<16xf32>
        %mul3A_157 = arith.mulf %get3A_155, %mul3A_156 : vector<16xf32>
        %sub3A = vector.broadcast %mul3A_107 : f32 to vector<16xf32>
        %sub3A_158 = arith.subf %mul3A_157, %sub3A : vector<16xf32>
        %mul3A_159 = vector.broadcast %reduce_sum3A_24 : f32 to vector<16xf32>
        %mul3A_160 = arith.mulf %sub3A_158, %mul3A_159 : vector<16xf32>
        %get3A_161 = arith.constant 2 : i32
        %get3A_162 = arith.index_cast %get3A_161 : i32 to index
        %get3A_163 = arith.index_cast %mul3A_149 : i32 to index
        %get3A_164 = tpu.vector_load %arg11[%get3A_162, %get3A_163] {strides = array<i32>} : memref<4x128xf32, #tpu.memory_space<vmem>>, vector<16xf32>,
        %div3A = arith.divf %mul3A_160, %get3A_164 : vector<16xf32>
        %swap3A_165 = arith.constant 2 : i32
        %swap3A_166 = arith.index_cast %swap3A_165 : i32 to index
        %swap3A_167 = arith.index_cast %mul3A_149 : i32 to index
        %swap3A_168 = tpu.vector_load %arg12[%swap3A_166, %swap3A_167] {strides = array<i32>} : memref<4x128xf32, #tpu.memory_space<vmem>>, vector<16xf32>,
        tpu.vector_store %arg12[%swap3A_166, %swap3A_167], %div3A {strides = array<i32>} : memref<4x128xf32, #tpu.memory_space<vmem>>, vector<16xf32>,
      }
      %scan3A_140 = arith.constant 8 : i32
      %scan3A_141 = arith.constant 0 : i32
      %scan3A_142 = arith.constant 0 : i32
      %scan3A_143 = arith.constant 8 : i32
      %scan3A_144 = arith.addi %scan3A_142, %scan3A_143 : i32
      %scan3A_145 = arith.constant 1 : i32
      scf.for %scan3A_147 = %scan3A_142 to %scan3A_144 step %scan3A_145  : i32 {
        %mul3A_148 = arith.constant 16 : i32
        %mul3A_149 = arith.muli %scan3A_147, %mul3A_148 : i32
        %mul3A_150 = arith.constant 16 : i32
        %mul3A_151 = arith.muli %scan3A_147, %mul3A_150 : i32
        %add3A_152 = arith.constant 896 : i32
        %add3A_153 = arith.addi %add3A_152, %mul3A_151 : i32
        %get3A_154 = arith.index_cast %add3A_153 : i32 to index
        %get3A_155 = tpu.vector_load %arg9[%get3A_154] {strides = array<i32>} : memref<1024xf32, #tpu.memory_space<vmem>>, vector<16xf32>,
        %mul3A_156 = vector.broadcast %reduce_sum3A_14 : f32 to vector<16xf32>
        %mul3A_157 = arith.mulf %get3A_155, %mul3A_156 : vector<16xf32>
        %sub3A = vector.broadcast %mul3A_107 : f32 to vector<16xf32>
        %sub3A_158 = arith.subf %mul3A_157, %sub3A : vector<16xf32>
        %mul3A_159 = vector.broadcast %reduce_sum3A_24 : f32 to vector<16xf32>
        %mul3A_160 = arith.mulf %sub3A_158, %mul3A_159 : vector<16xf32>
        %get3A_161 = arith.constant 3 : i32
        %get3A_162 = arith.index_cast %get3A_161 : i32 to index
        %get3A_163 = arith.index_cast %mul3A_149 : i32 to index
        %get3A_164 = tpu.vector_load %arg11[%get3A_162, %get3A_163] {strides = array<i32>} : memref<4x128xf32, #tpu.memory_space<vmem>>, vector<16xf32>,
        %div3A = arith.divf %mul3A_160, %get3A_164 : vector<16xf32>
        %swap3A_165 = arith.constant 3 : i32
        %swap3A_166 = arith.index_cast %swap3A_165 : i32 to index
        %swap3A_167 = arith.index_cast %mul3A_149 : i32 to index
        %swap3A_168 = tpu.vector_load %arg12[%swap3A_166, %swap3A_167] {strides = array<i32>} : memref<4x128xf32, #tpu.memory_space<vmem>>, vector<16xf32>,
        tpu.vector_store %arg12[%swap3A_166, %swap3A_167], %div3A {strides = array<i32>} : memref<4x128xf32, #tpu.memory_space<vmem>>, vector<16xf32>,
      }
      %scan3A_146 = arith.constant 8 : i32
    } else {
    }
    %mul3A_118 = arith.constant 4 : i32
    %mul3A_119 = arith.muli %arg0, %mul3A_118 : i32
    %add3A_120 = arith.addi %mul3A_2, %mul3A_119 : i32
    "tpu.region"() ({
      %run_scoped3A = tpu.sem_alloc : memref<!tpu.dma_semaphore, #tpu.memory_space<semaphore_mem>>
      %dma_start3A_123 = arith.constant 0 : i32
      %dma_start3A_124 = tpu.memref_slice %arg6[%add3A_120, %dma_start3A_123] : memref<128x128xf32, #tpu.memory_space<hbm>> -> memref<4x128xf32, #tpu.memory_space<hbm>>
      %dma_start3A_125 = arith.constant 0 : i32
      %dma_start3A_126 = tpu.memref_slice %arg6[%add3A_120, %dma_start3A_125] : memref<128x128xf32, #tpu.memory_space<hbm>> -> memref<4x128xf32, #tpu.memory_space<hbm>>
      tpu.enqueue_dma source(%arg12 : memref<4x128xf32, #tpu.memory_space<vmem>>) target(%dma_start3A_126 : memref<4x128xf32, #tpu.memory_space<hbm>>) target_semaphore(%run_scoped3A : memref<!tpu.dma_semaphore, #tpu.memory_space<semaphore_mem>>)
      %dma_wait3A_127 = arith.constant 0 : i32
      %dma_wait3A_128 = tpu.memref_slice %arg6[%add3A_120, %dma_wait3A_127] : memref<128x128xf32, #tpu.memory_space<hbm>> -> memref<4x128xf32, #tpu.memory_space<hbm>>
      %dma_wait3A_129 = arith.constant 0 : i32
      %dma_wait3A_130 = tpu.memref_slice %arg6[%add3A_120, %dma_wait3A_129] : memref<128x128xf32, #tpu.memory_space<hbm>> -> memref<4x128xf32, #tpu.memory_space<hbm>>
      tpu.wait_dma2 semaphore(%run_scoped3A : memref<!tpu.dma_semaphore, #tpu.memory_space<semaphore_mem>>) src(%arg12 : memref<4x128xf32, #tpu.memory_space<vmem>>) dst(%dma_wait3A_130 : memref<4x128xf32, #tpu.memory_space<hbm>>)
      tpu.yield
    }) : () -> ()
    %dma_wait3A_121 = tpu.memref_slice %arg7[%add3A_91] : memref<1000000xf32, #tpu.memory_space<hbm>> -> memref<31248xf32, #tpu.memory_space<hbm>>
    %dma_wait3A_122 = tpu.memref_slice %arg7[%add3A_91] : memref<1000000xf32, #tpu.memory_space<hbm>> -> memref<31248xf32, #tpu.memory_space<hbm>>
    tpu.wait_dma2 semaphore(%arg20 : memref<!tpu.dma_semaphore, #tpu.memory_space<semaphore_mem>>) src(%arg17 : memref<31248xf32, #tpu.memory_space<vmem>>) dst(%dma_wait3A_122 : memref<31248xf32, #tpu.memory_space<hbm>>)
    return
  }
}

#map = affine_map<(d0, d1) -> (0)>
#map1 = affine_map<(d0, d1) -> (0, 0)>
module attributes {stable_mosaic.version = 14 : i64} {
  func.func @_sc_gather_body(%arg0: i32, %arg1: i32, %arg2: memref<1000000xf32, #tpu.memory_space<hbm>>, %arg3: memref<128x128xi32, #tpu.memory_space<hbm>>, %arg4: memref<128x128xf32, #tpu.memory_space<hbm>>, %arg5: memref<4x128xi32, #tpu.memory_space<vmem>>, %arg6: memref<4x128xf32, #tpu.memory_space<vmem>>, %arg7: memref<!tpu.dma_semaphore, #tpu.memory_space<semaphore_mem>>) attributes {dimension_semantics = [#tpu.dimension_semantics<core_parallel>, #tpu.dimension_semantics<subcore_parallel>], iteration_bounds = array<i64: 2, 16>, scalar_prefetch = 0 : i64, scratch_operands = 3 : i64, tpu.core_type = #tpu.core_type<sc_vector_subcore>, window_params = [{transform_indices = #map}, {transform_indices = #map1}, {transform_indices = #map1}]} {
    %mul3A = arith.constant 2 : i32
    %mul3A_0 = arith.muli %arg1, %mul3A : i32
    %add3A = arith.addi %mul3A_0, %arg0 : i32
    %mul3A_1 = arith.constant 4 : i32
    %mul3A_2 = arith.muli %add3A, %mul3A_1 : i32
    "tpu.region"() ({
      %run_scoped3A = tpu.sem_alloc : memref<!tpu.dma_semaphore, #tpu.memory_space<semaphore_mem>>
      %dma_start3A_81 = arith.constant 0 : i32
      %dma_start3A_82 = tpu.memref_slice %arg3[%mul3A_2, %dma_start3A_81] : memref<128x128xi32, #tpu.memory_space<hbm>> -> memref<4x128xi32, #tpu.memory_space<hbm>>
      %dma_start3A_83 = arith.constant 0 : i32
      %dma_start3A_84 = tpu.memref_slice %arg3[%mul3A_2, %dma_start3A_83] : memref<128x128xi32, #tpu.memory_space<hbm>> -> memref<4x128xi32, #tpu.memory_space<hbm>>
      tpu.enqueue_dma source(%dma_start3A_84 : memref<4x128xi32, #tpu.memory_space<hbm>>) target(%arg5 : memref<4x128xi32, #tpu.memory_space<vmem>>) target_semaphore(%run_scoped3A : memref<!tpu.dma_semaphore, #tpu.memory_space<semaphore_mem>>)
      %dma_wait3A_85 = arith.constant 0 : i32
      %dma_wait3A_86 = tpu.memref_slice %arg3[%mul3A_2, %dma_wait3A_85] : memref<128x128xi32, #tpu.memory_space<hbm>> -> memref<4x128xi32, #tpu.memory_space<hbm>>
      %dma_wait3A_87 = arith.constant 0 : i32
      %dma_wait3A_88 = tpu.memref_slice %arg3[%mul3A_2, %dma_wait3A_87] : memref<128x128xi32, #tpu.memory_space<hbm>> -> memref<4x128xi32, #tpu.memory_space<hbm>>
      tpu.wait_dma2 semaphore(%run_scoped3A : memref<!tpu.dma_semaphore, #tpu.memory_space<semaphore_mem>>) src(%dma_wait3A_88 : memref<4x128xi32, #tpu.memory_space<hbm>>) dst(%arg5 : memref<4x128xi32, #tpu.memory_space<vmem>>)
      tpu.yield
    }) : () -> ()
    %dma_start3A = arith.constant 0 : i32
    %dma_start3A_3 = arith.constant 0 : i32
    %dma_start3A_4 = arith.constant 0 : i32
    %dma_start3A_5 = tpu.memref_slice %arg6[%dma_start3A_3, %dma_start3A_4] : memref<4x128xf32, #tpu.memory_space<vmem>> -> memref<1x128xf32, #tpu.memory_space<vmem>>
    %dma_start3A_6 = tpu.memref_squeeze %dma_start3A_5 : memref<1x128xf32, #tpu.memory_space<vmem>> -> memref<128xf32, #tpu.memory_space<vmem>>
    %dma_start3A_7 = arith.constant 0 : i32
    %dma_start3A_8 = tpu.memref_slice %arg5[%dma_start3A, %dma_start3A_7] : memref<4x128xi32, #tpu.memory_space<vmem>> -> memref<1x128xi32, #tpu.memory_space<vmem>>
    %dma_start3A_9 = tpu.memref_squeeze %dma_start3A_8 : memref<1x128xi32, #tpu.memory_space<vmem>> -> memref<128xi32, #tpu.memory_space<vmem>>
    %dma_start3A_10 = arith.constant 0 : i32
    %dma_start3A_11 = tpu.memref_slice %arg2[%dma_start3A_10] : memref<1000000xf32, #tpu.memory_space<hbm>> -> memref<1000000xf32, #tpu.memory_space<hbm>>
    tpu.enqueue_indirect_dma source(%dma_start3A_11 : memref<1000000xf32, #tpu.memory_space<hbm>>) target(%dma_start3A_6 : memref<128xf32, #tpu.memory_space<vmem>>) offsets(%dma_start3A_9 : memref<128xi32, #tpu.memory_space<vmem>>) semaphore(%arg7 : memref<!tpu.dma_semaphore, #tpu.memory_space<semaphore_mem>>)
    %dma_start3A_12 = arith.constant 1 : i32
    %dma_start3A_13 = arith.constant 1 : i32
    %dma_start3A_14 = arith.constant 0 : i32
    %dma_start3A_15 = tpu.memref_slice %arg6[%dma_start3A_13, %dma_start3A_14] : memref<4x128xf32, #tpu.memory_space<vmem>> -> memref<1x128xf32, #tpu.memory_space<vmem>>
    %dma_start3A_16 = tpu.memref_squeeze %dma_start3A_15 : memref<1x128xf32, #tpu.memory_space<vmem>> -> memref<128xf32, #tpu.memory_space<vmem>>
    %dma_start3A_17 = arith.constant 0 : i32
    %dma_start3A_18 = tpu.memref_slice %arg5[%dma_start3A_12, %dma_start3A_17] : memref<4x128xi32, #tpu.memory_space<vmem>> -> memref<1x128xi32, #tpu.memory_space<vmem>>
    %dma_start3A_19 = tpu.memref_squeeze %dma_start3A_18 : memref<1x128xi32, #tpu.memory_space<vmem>> -> memref<128xi32, #tpu.memory_space<vmem>>
    %dma_start3A_20 = arith.constant 0 : i32
    %dma_start3A_21 = tpu.memref_slice %arg2[%dma_start3A_20] : memref<1000000xf32, #tpu.memory_space<hbm>> -> memref<1000000xf32, #tpu.memory_space<hbm>>
    tpu.enqueue_indirect_dma source(%dma_start3A_21 : memref<1000000xf32, #tpu.memory_space<hbm>>) target(%dma_start3A_16 : memref<128xf32, #tpu.memory_space<vmem>>) offsets(%dma_start3A_19 : memref<128xi32, #tpu.memory_space<vmem>>) semaphore(%arg7 : memref<!tpu.dma_semaphore, #tpu.memory_space<semaphore_mem>>)
    %dma_start3A_22 = arith.constant 2 : i32
    %dma_start3A_23 = arith.constant 2 : i32
    %dma_start3A_24 = arith.constant 0 : i32
    %dma_start3A_25 = tpu.memref_slice %arg6[%dma_start3A_23, %dma_start3A_24] : memref<4x128xf32, #tpu.memory_space<vmem>> -> memref<1x128xf32, #tpu.memory_space<vmem>>
    %dma_start3A_26 = tpu.memref_squeeze %dma_start3A_25 : memref<1x128xf32, #tpu.memory_space<vmem>> -> memref<128xf32, #tpu.memory_space<vmem>>
    %dma_start3A_27 = arith.constant 0 : i32
    %dma_start3A_28 = tpu.memref_slice %arg5[%dma_start3A_22, %dma_start3A_27] : memref<4x128xi32, #tpu.memory_space<vmem>> -> memref<1x128xi32, #tpu.memory_space<vmem>>
    %dma_start3A_29 = tpu.memref_squeeze %dma_start3A_28 : memref<1x128xi32, #tpu.memory_space<vmem>> -> memref<128xi32, #tpu.memory_space<vmem>>
    %dma_start3A_30 = arith.constant 0 : i32
    %dma_start3A_31 = tpu.memref_slice %arg2[%dma_start3A_30] : memref<1000000xf32, #tpu.memory_space<hbm>> -> memref<1000000xf32, #tpu.memory_space<hbm>>
    tpu.enqueue_indirect_dma source(%dma_start3A_31 : memref<1000000xf32, #tpu.memory_space<hbm>>) target(%dma_start3A_26 : memref<128xf32, #tpu.memory_space<vmem>>) offsets(%dma_start3A_29 : memref<128xi32, #tpu.memory_space<vmem>>) semaphore(%arg7 : memref<!tpu.dma_semaphore, #tpu.memory_space<semaphore_mem>>)
    %dma_start3A_32 = arith.constant 3 : i32
    %dma_start3A_33 = arith.constant 3 : i32
    %dma_start3A_34 = arith.constant 0 : i32
    %dma_start3A_35 = tpu.memref_slice %arg6[%dma_start3A_33, %dma_start3A_34] : memref<4x128xf32, #tpu.memory_space<vmem>> -> memref<1x128xf32, #tpu.memory_space<vmem>>
    %dma_start3A_36 = tpu.memref_squeeze %dma_start3A_35 : memref<1x128xf32, #tpu.memory_space<vmem>> -> memref<128xf32, #tpu.memory_space<vmem>>
    %dma_start3A_37 = arith.constant 0 : i32
    %dma_start3A_38 = tpu.memref_slice %arg5[%dma_start3A_32, %dma_start3A_37] : memref<4x128xi32, #tpu.memory_space<vmem>> -> memref<1x128xi32, #tpu.memory_space<vmem>>
    %dma_start3A_39 = tpu.memref_squeeze %dma_start3A_38 : memref<1x128xi32, #tpu.memory_space<vmem>> -> memref<128xi32, #tpu.memory_space<vmem>>
    %dma_start3A_40 = arith.constant 0 : i32
    %dma_start3A_41 = tpu.memref_slice %arg2[%dma_start3A_40] : memref<1000000xf32, #tpu.memory_space<hbm>> -> memref<1000000xf32, #tpu.memory_space<hbm>>
    tpu.enqueue_indirect_dma source(%dma_start3A_41 : memref<1000000xf32, #tpu.memory_space<hbm>>) target(%dma_start3A_36 : memref<128xf32, #tpu.memory_space<vmem>>) offsets(%dma_start3A_39 : memref<128xi32, #tpu.memory_space<vmem>>) semaphore(%arg7 : memref<!tpu.dma_semaphore, #tpu.memory_space<semaphore_mem>>)
    %dma_wait3A = arith.constant 0 : i32
    %dma_wait3A_42 = arith.constant 0 : i32
    %dma_wait3A_43 = arith.constant 0 : i32
    %dma_wait3A_44 = tpu.memref_slice %arg6[%dma_wait3A_42, %dma_wait3A_43] : memref<4x128xf32, #tpu.memory_space<vmem>> -> memref<1x128xf32, #tpu.memory_space<vmem>>
    %dma_wait3A_45 = tpu.memref_squeeze %dma_wait3A_44 : memref<1x128xf32, #tpu.memory_space<vmem>> -> memref<128xf32, #tpu.memory_space<vmem>>
    %dma_wait3A_46 = arith.constant 0 : i32
    %dma_wait3A_47 = tpu.memref_slice %arg5[%dma_wait3A, %dma_wait3A_46] : memref<4x128xi32, #tpu.memory_space<vmem>> -> memref<1x128xi32, #tpu.memory_space<vmem>>
    %dma_wait3A_48 = tpu.memref_squeeze %dma_wait3A_47 : memref<1x128xi32, #tpu.memory_space<vmem>> -> memref<128xi32, #tpu.memory_space<vmem>>
    %dma_wait3A_49 = arith.constant 0 : i32
    %dma_wait3A_50 = tpu.memref_slice %arg2[%dma_wait3A_49] : memref<1000000xf32, #tpu.memory_space<hbm>> -> memref<1000000xf32, #tpu.memory_space<hbm>>
    tpu.wait_indirect_dma semaphore(%arg7 : memref<!tpu.dma_semaphore, #tpu.memory_space<semaphore_mem>>) src(%dma_wait3A_50 : memref<1000000xf32, #tpu.memory_space<hbm>>) dst(%dma_wait3A_45 : memref<128xf32, #tpu.memory_space<vmem>>)
    %dma_wait3A_51 = arith.constant 1 : i32
    %dma_wait3A_52 = arith.constant 1 : i32
    %dma_wait3A_53 = arith.constant 0 : i32
    %dma_wait3A_54 = tpu.memref_slice %arg6[%dma_wait3A_52, %dma_wait3A_53] : memref<4x128xf32, #tpu.memory_space<vmem>> -> memref<1x128xf32, #tpu.memory_space<vmem>>
    %dma_wait3A_55 = tpu.memref_squeeze %dma_wait3A_54 : memref<1x128xf32, #tpu.memory_space<vmem>> -> memref<128xf32, #tpu.memory_space<vmem>>
    %dma_wait3A_56 = arith.constant 0 : i32
    %dma_wait3A_57 = tpu.memref_slice %arg5[%dma_wait3A_51, %dma_wait3A_56] : memref<4x128xi32, #tpu.memory_space<vmem>> -> memref<1x128xi32, #tpu.memory_space<vmem>>
    %dma_wait3A_58 = tpu.memref_squeeze %dma_wait3A_57 : memref<1x128xi32, #tpu.memory_space<vmem>> -> memref<128xi32, #tpu.memory_space<vmem>>
    %dma_wait3A_59 = arith.constant 0 : i32
    %dma_wait3A_60 = tpu.memref_slice %arg2[%dma_wait3A_59] : memref<1000000xf32, #tpu.memory_space<hbm>> -> memref<1000000xf32, #tpu.memory_space<hbm>>
    tpu.wait_indirect_dma semaphore(%arg7 : memref<!tpu.dma_semaphore, #tpu.memory_space<semaphore_mem>>) src(%dma_wait3A_60 : memref<1000000xf32, #tpu.memory_space<hbm>>) dst(%dma_wait3A_55 : memref<128xf32, #tpu.memory_space<vmem>>)
    %dma_wait3A_61 = arith.constant 2 : i32
    %dma_wait3A_62 = arith.constant 2 : i32
    %dma_wait3A_63 = arith.constant 0 : i32
    %dma_wait3A_64 = tpu.memref_slice %arg6[%dma_wait3A_62, %dma_wait3A_63] : memref<4x128xf32, #tpu.memory_space<vmem>> -> memref<1x128xf32, #tpu.memory_space<vmem>>
    %dma_wait3A_65 = tpu.memref_squeeze %dma_wait3A_64 : memref<1x128xf32, #tpu.memory_space<vmem>> -> memref<128xf32, #tpu.memory_space<vmem>>
    %dma_wait3A_66 = arith.constant 0 : i32
    %dma_wait3A_67 = tpu.memref_slice %arg5[%dma_wait3A_61, %dma_wait3A_66] : memref<4x128xi32, #tpu.memory_space<vmem>> -> memref<1x128xi32, #tpu.memory_space<vmem>>
    %dma_wait3A_68 = tpu.memref_squeeze %dma_wait3A_67 : memref<1x128xi32, #tpu.memory_space<vmem>> -> memref<128xi32, #tpu.memory_space<vmem>>
    %dma_wait3A_69 = arith.constant 0 : i32
    %dma_wait3A_70 = tpu.memref_slice %arg2[%dma_wait3A_69] : memref<1000000xf32, #tpu.memory_space<hbm>> -> memref<1000000xf32, #tpu.memory_space<hbm>>
    tpu.wait_indirect_dma semaphore(%arg7 : memref<!tpu.dma_semaphore, #tpu.memory_space<semaphore_mem>>) src(%dma_wait3A_70 : memref<1000000xf32, #tpu.memory_space<hbm>>) dst(%dma_wait3A_65 : memref<128xf32, #tpu.memory_space<vmem>>)
    %dma_wait3A_71 = arith.constant 3 : i32
    %dma_wait3A_72 = arith.constant 3 : i32
    %dma_wait3A_73 = arith.constant 0 : i32
    %dma_wait3A_74 = tpu.memref_slice %arg6[%dma_wait3A_72, %dma_wait3A_73] : memref<4x128xf32, #tpu.memory_space<vmem>> -> memref<1x128xf32, #tpu.memory_space<vmem>>
    %dma_wait3A_75 = tpu.memref_squeeze %dma_wait3A_74 : memref<1x128xf32, #tpu.memory_space<vmem>> -> memref<128xf32, #tpu.memory_space<vmem>>
    %dma_wait3A_76 = arith.constant 0 : i32
    %dma_wait3A_77 = tpu.memref_slice %arg5[%dma_wait3A_71, %dma_wait3A_76] : memref<4x128xi32, #tpu.memory_space<vmem>> -> memref<1x128xi32, #tpu.memory_space<vmem>>
    %dma_wait3A_78 = tpu.memref_squeeze %dma_wait3A_77 : memref<1x128xi32, #tpu.memory_space<vmem>> -> memref<128xi32, #tpu.memory_space<vmem>>
    %dma_wait3A_79 = arith.constant 0 : i32
    %dma_wait3A_80 = tpu.memref_slice %arg2[%dma_wait3A_79] : memref<1000000xf32, #tpu.memory_space<hbm>> -> memref<1000000xf32, #tpu.memory_space<hbm>>
    tpu.wait_indirect_dma semaphore(%arg7 : memref<!tpu.dma_semaphore, #tpu.memory_space<semaphore_mem>>) src(%dma_wait3A_80 : memref<1000000xf32, #tpu.memory_space<hbm>>) dst(%dma_wait3A_75 : memref<128xf32, #tpu.memory_space<vmem>>)
    "tpu.region"() ({
      %run_scoped3A = tpu.sem_alloc : memref<!tpu.dma_semaphore, #tpu.memory_space<semaphore_mem>>
      %dma_start3A_81 = arith.constant 0 : i32
      %dma_start3A_82 = tpu.memref_slice %arg4[%mul3A_2, %dma_start3A_81] : memref<128x128xf32, #tpu.memory_space<hbm>> -> memref<4x128xf32, #tpu.memory_space<hbm>>
      %dma_start3A_83 = arith.constant 0 : i32
      %dma_start3A_84 = tpu.memref_slice %arg4[%mul3A_2, %dma_start3A_83] : memref<128x128xf32, #tpu.memory_space<hbm>> -> memref<4x128xf32, #tpu.memory_space<hbm>>
      tpu.enqueue_dma source(%arg6 : memref<4x128xf32, #tpu.memory_space<vmem>>) target(%dma_start3A_84 : memref<4x128xf32, #tpu.memory_space<hbm>>) target_semaphore(%run_scoped3A : memref<!tpu.dma_semaphore, #tpu.memory_space<semaphore_mem>>)
      %dma_wait3A_85 = arith.constant 0 : i32
      %dma_wait3A_86 = tpu.memref_slice %arg4[%mul3A_2, %dma_wait3A_85] : memref<128x128xf32, #tpu.memory_space<hbm>> -> memref<4x128xf32, #tpu.memory_space<hbm>>
      %dma_wait3A_87 = arith.constant 0 : i32
      %dma_wait3A_88 = tpu.memref_slice %arg4[%mul3A_2, %dma_wait3A_87] : memref<128x128xf32, #tpu.memory_space<hbm>> -> memref<4x128xf32, #tpu.memory_space<hbm>>
      tpu.wait_dma2 semaphore(%run_scoped3A : memref<!tpu.dma_semaphore, #tpu.memory_space<semaphore_mem>>) src(%arg6 : memref<4x128xf32, #tpu.memory_space<vmem>>) dst(%dma_wait3A_88 : memref<4x128xf32, #tpu.memory_space<hbm>>)
      tpu.yield
    }) : () -> ()
    return
  }
}

module attributes {stable_mosaic.version = 14 : i64} {
  func.func @_loss_body(%arg0: i32, %arg1: memref<1000x2048xf32, #tpu.memory_space<vmem>>, %arg2: memref<16x128xi32, #tpu.memory_space<vmem>>, %arg3: memref<16x128xf32, #tpu.memory_space<vmem>>) attributes {dimension_semantics = [#tpu.dimension_semantics<arbitrary>], iteration_bounds = array<i64: 8>, scalar_prefetch = 0 : i64, scratch_operands = 0 : i64, tpu.core_type = #tpu.core_type<tc>, window_params = [{transform_indices = @transform_0, window_bounds = array<i64: 1000, 2048>}, {transform_indices = @transform_1, window_bounds = array<i64: 16, 128>}, {transform_indices = @transform_2, window_bounds = array<i64: 16, 128>}]} {
    %get3A = arith.constant 0 : index
    %get3A_0 = arith.constant 0 : index
    %get3A_1 = vector.load %arg1[%get3A, %get3A_0] : memref<1000x2048xf32, #tpu.memory_space<vmem>>, vector<1000x2048xf32>
    %get3A_2 = arith.constant 0 : index
    %get3A_3 = arith.constant 0 : index
    %get3A_4 = vector.load %arg2[%get3A_2, %get3A_3] : memref<16x128xi32, #tpu.memory_space<vmem>>, vector<16x128xi32>
    %reshape3A = vector.shape_cast %get3A_4 : vector<16x128xi32> to vector<1x2048xi32>
    %reduce_max3A = arith.constant dense<0xFF800000> : vector<2048xf32>
    %reduce_max3A_5 = vector.multi_reduction <maximumf>, %get3A_1, %reduce_max3A [0] : vector<1000x2048xf32> to vector<2048xf32>
    %broadcast_in_dim3A = vector.shape_cast %reduce_max3A_5 : vector<2048xf32> to vector<1x2048xf32>
    %sub3A = vector.broadcast %broadcast_in_dim3A : vector<1x2048xf32> to vector<1000x2048xf32>
    %sub3A_6 = arith.subf %get3A_1, %sub3A : vector<1000x2048xf32>
    %exp3A = math.exp %sub3A_6 : vector<1000x2048xf32>
    %reduce_sum3A = arith.constant dense<0.000000e+00> : vector<2048xf32>
    %reduce_sum3A_7 = vector.multi_reduction <add>, %exp3A, %reduce_sum3A [0] : vector<1000x2048xf32> to vector<2048xf32>
    %broadcast_in_dim3A_8 = vector.shape_cast %reduce_sum3A_7 : vector<2048xf32> to vector<1x2048xf32>
    %log3A = math.log %broadcast_in_dim3A_8 : vector<1x2048xf32>
    %add3A = arith.addf %broadcast_in_dim3A, %log3A : vector<1x2048xf32>
    %iota3A = tpu.iota {dimensions = array<i32: 0>} : vector<1000x2048xi32>
    %eq3A = vector.broadcast %reshape3A : vector<1x2048xi32> to vector<1000x2048xi32>
    %eq3A_9 = arith.cmpi eq, %iota3A, %eq3A : vector<1000x2048xi32>
    %jit3A = arith.constant 0.000000e+00 : f32
    %broadcast_in_dim3A_10 = vector.broadcast %jit3A : f32 to vector<1000x2048xf32>
    %select_n3A = arith.select %eq3A_9, %get3A_1, %broadcast_in_dim3A_10 : vector<1000x2048xi1>, vector<1000x2048xf32>
    %reduce_sum3A_11 = arith.constant dense<0.000000e+00> : vector<2048xf32>
    %reduce_sum3A_12 = vector.multi_reduction <add>, %select_n3A, %reduce_sum3A_11 [0] : vector<1000x2048xf32> to vector<2048xf32>
    %broadcast_in_dim3A_13 = vector.shape_cast %reduce_sum3A_12 : vector<2048xf32> to vector<1x2048xf32>
    %sub3A_14 = arith.subf %add3A, %broadcast_in_dim3A_13 : vector<1x2048xf32>
    %reshape3A_15 = vector.shape_cast %sub3A_14 : vector<1x2048xf32> to vector<16x128xf32>
    %swap3A = arith.constant 0 : index
    %swap3A_16 = arith.constant 0 : index
    %swap3A_17 = vector.load %arg3[%swap3A, %swap3A_16] : memref<16x128xf32, #tpu.memory_space<vmem>>, vector<16x128xf32>
    tpu.vector_store %arg3[%swap3A, %swap3A_16], %reshape3A_15 {strides = array<i32>} : memref<16x128xf32, #tpu.memory_space<vmem>>, vector<16x128xf32>,
    return
  }
  func.func @transform_0(%arg0: i32) -> (i32, i32) {
    %c0_i32 = arith.constant 0 : i32
    %c0_i32_0 = arith.constant 0 : i32
    return %c0_i32, %arg0 : i32, i32
  }
  func.func @transform_1(%arg0: i32) -> (i32, i32) {
    %c0_i32 = arith.constant 0 : i32
    %c0_i32_0 = arith.constant 0 : i32
    return %arg0, %c0_i32 : i32, i32
  }
  func.func @transform_2(%arg0: i32) -> (i32, i32) {
    %c0_i32 = arith.constant 0 : i32
    %c0_i32_0 = arith.constant 0 : i32
    return %arg0, %c0_i32 : i32, i32
  }
}

</mosaic_0001>

<sc_bundles>
// kernel: kernel.5.cloned.1.call-start
scs
__scs_entry_jumppad:
0x0: {  	(pc) =	sbr.rel $0x88, $3  }
0x1: {  	(tag) =	ssettag $0x0;
	lr =	simm.s32 $0x1  }
0x2: {  	[smem:$0x3F9B] =	sst lr;
	_ =	strace $0xD0000000  }
0x3: {  	_ = 	snop  }
0x4: {  	_ = 	snop  }
0x5: {  	_ = 	snop  }
0x6: {  	_ = 	snop  }
0x7: {  	_ = 	snop  }
__scs_overlays_trampoline_lowered:
0x8: {  	[smem:$0x3FAA] =	sst s0  }
0x9: {  	[smem:$0x3FAB] =	sst s1  }
0xa: {  	[smem:$0x3FAC] =	sst s2  }
0xb: {  	[smem:$0x3FAD] =	sst s3  }
0xc: {  	[smem:$0x3FAE] =	sst s4  }
0xd: {  	[smem:$0x3FAF] =	sst s5  }
0xe: {  	[smem:$0x3FB0] =	sst s6  }
0xf: {  	[smem:$0x3FB1] =	sst s7  }
0x10: {  	[smem:$0x3FB2] =	sst s8  }
0x11: {  	[smem:$0x3FB3] =	sst s9;
	s0 =	simm.s32 @!p0 $0x0  }
0x12: {  	s1 =	sld [smem:$0x3F99];
	s0 =	simm.s32 @p0 $0x1  }
0x13: {  	[smem:$0x3FB4] =	sst s0;
	s0 =	simm.s32 @!p1 $0x0  }
0x14: {  	s2 =	sld [smem:$0x3F98];
	s0 =	simm.s32 @p1 $0x1  }
0x15: {  	[smem:$0x3FB5] =	sst s0;
	s0 =	simm.s32 @!p2 $0x0  }
0x16: {  	s3 =	sld [smem:$0x3FDB];
	s0 =	simm.s32 @p2 $0x1  }
0x17: {  	s4 =	simm.s32 $0x1BF5;
	[smem:$0x3FB7] =	sst s0  }
0x18: {  	s0 =	sld [smem:$0x3F9A];
	_ =	swait.ge [sflag:s4], $0x0  }
0x19: {  	s7 =	sld [smem:$0x3F9B]  }
0x1a: {  	s8 =	sadd.s32 $0xFFFFE003, lr  }
0x1b: {  	s9 =	sadd.s32 $0xFFFFFEF7, lr;
	s5 =	simm.s32 $0xFFFFFFFF;
	p2 =	slt.u32 s8, $0xFFFFF086  }
0x1c: {  	p1 =	slt.u32 s9, $0xF7A;
	s5 =	simm.s32 @!p2 $0x0  }
0x1d: {  	s5 =	simm.s32 @p1 $0x1;
	p0 =	seq.s32 s7, s2  }
0x1e: {  	s7 =	smul.u32 @!p0 $0xF7A, s2;
	p2 =	seq.s32 @!p0 s5, $0x0  }
0x1f: {  	s9 =	smul.u32 $0xF7A, s1;
	s8 =	simm.s32 @!p0 $0x1BF5;
	p2 =	por !p2, p0  }
0x20: {  	[sflag:s8] =	ssyncset.s32 @!p0 $0xFFFFF086;
	s6 =	sadd.s32 @!p0 s3, s7;
	s7 =	simm.s32 @!p0 $0x108  }
0x21: {  	s3 =	sadd.s32 s3, s9;
	s6 =	sadd.s32 @!p0 $0x88, s6;
	s7 =	simm.s32 @p2 $0x1082  }
0x22: {  	[simem:s7], [sflag:s8] =	dma.local @!p0 [hbm:s6], $0xF7A  }
0x23: {  	s9 =	sor.u32 $0xD0000000, s2;
	s6 =	simm.s32 $0x108;
	_ =	swait.ge @!p0 [sflag:s8], $0x0  }
0x24: {  	s3 =	sadd.s32 $0x88, s3;
	s6 =	simm.s32 @!p1 $0x1082;
	[sflag:s4] =	ssyncset.s32 $0xFFFFF086  }
0x25: {  	[simem:s6], [sflag:s4] =	dma.local [hbm:s3], $0xF7A  }
0x26: {  	[smem:$0x3F9B] =	sst s1;
	(tag) =	ssettag s2;
	_ =	strace s9  }
0x27: {  	s1 =	sld [smem:$0x3FAB]  }
0x28: {  	s2 =	sld [smem:$0x3FAC]  }
0x29: {  	s4 =	sld [smem:$0x3FAE]  }
0x2a: {  	p0 =	seq.s32 s5, $0x0;
	s5 =	sld [smem:$0x3FAF]  }
0x2b: {  	s6 =	sld [smem:$0x3FB0]  }
0x2c: {  	s7 =	sld [smem:$0x3FB1]  }
0x2d: {  	s3 =	simm.s32 $0x108;
	s8 =	sld [smem:$0x3FB2]  }
0x2e: {  	s3 =	simm.s32 @!p0 $0x1082;
	s9 =	sld [smem:$0x3FB3]  }
0x2f: {  	lr =	sadd.s32 s0, s3;
	s0 =	sld [smem:$0x3FAA]  }
0x30: {  	s3 =	sld [smem:$0x3FAD]  }
0x31: {  	[smem:$0x3FB6] =	sst s10  }
0x32: {  	s10 =	sld [smem:$0x3FB4];
	_ =	sdelay $0x3  }
0x33: {  	p0 =	seq.s32 s10, $0x1;
	s10 =	sld [smem:$0x3FB6];
	_ =	sdelay $0x3  }
0x34: {  	[smem:$0x3FB6] =	sst s10  }
0x35: {  	s10 =	sld [smem:$0x3FB5];
	_ =	sdelay $0x3  }
0x36: {  	p1 =	seq.s32 s10, $0x1;
	s10 =	sld [smem:$0x3FB6];
	_ =	sdelay $0x3  }
0x37: {  	[smem:$0x3FB6] =	sst s10  }
0x38: {  	s10 =	sld [smem:$0x3FB7]  }
0x39: {  	_ = 	snop;
	(pc) =	sbr.ind lr, $3  }
0x3a: {  	_ = 	snop  }
0x3b: {  	_ = 	snop  }
0x3c: {  	p2 =	seq.s32 s10, $0x1;
	s10 =	sld [smem:$0x3FB6]  }
0x3d: {  	_ =	shalt  }
0x3e: {  	_ =	shalt  }
0x3f: {  	_ =	shalt  }
0x40: {  	_ =	shalt  }
0x41: {  	_ =	shalt  }
0x42: {  	_ =	shalt  }
0x43: {  	_ =	shalt  }
0x44: {  	_ =	shalt  }
0x45: {  	_ =	shalt  }
0x46: {  	_ =	shalt  }
0x47: {  	_ =	shalt  }
0x48: {  	_ =	shalt  }
0x49: {  	_ =	shalt  }
0x4a: {  	_ =	shalt  }
0x4b: {  	_ =	shalt  }
0x4c: {  	_ =	shalt  }
0x4d: {  	_ =	shalt  }
0x4e: {  	_ =	shalt  }
0x4f: {  	_ =	shalt  }
0x50: {  	_ =	shalt  }
0x51: {  	_ =	shalt  }
0x52: {  	_ =	shalt  }
0x53: {  	_ =	shalt  }
0x54: {  	_ =	shalt  }
0x55: {  	_ =	shalt  }
0x56: {  	_ =	shalt  }
0x57: {  	_ =	shalt  }
0x58: {  	_ =	shalt  }
0x59: {  	_ =	shalt  }
0x5a: {  	_ =	shalt  }
0x5b: {  	_ =	shalt  }
0x5c: {  	_ =	shalt  }
0x5d: {  	_ =	shalt  }
0x5e: {  	_ =	shalt  }
0x5f: {  	_ =	shalt  }
0x60: {  	_ =	shalt  }
0x61: {  	_ =	shalt  }
0x62: {  	_ =	shalt  }
0x63: {  	_ =	shalt  }
0x64: {  	_ =	shalt  }
0x65: {  	_ =	shalt  }
0x66: {  	_ =	shalt  }
0x67: {  	_ =	shalt  }
0x68: {  	_ =	shalt  }
0x69: {  	_ =	shalt  }
0x6a: {  	_ =	shalt  }
0x6b: {  	_ =	shalt  }
0x6c: {  	_ =	shalt  }
0x6d: {  	_ =	shalt  }
0x6e: {  	_ =	shalt  }
0x6f: {  	_ =	shalt  }
0x70: {  	_ =	shalt  }
0x71: {  	_ =	shalt  }
0x72: {  	_ =	shalt  }
0x73: {  	_ =	shalt  }
0x74: {  	_ =	shalt  }
0x75: {  	_ =	shalt  }
0x76: {  	_ =	shalt  }
0x77: {  	_ =	shalt  }
0x78: {  	_ =	shalt  }
0x79: {  	_ =	shalt  }
0x7a: {  	_ =	shalt  }
0x7b: {  	_ =	shalt  }
0x7c: {  	_ =	shalt  }
0x7d: {  	_ =	shalt  }
0x7e: {  	_ =	shalt  }
0x7f: {  	_ =	shalt  }
0x80: {  	_ =	shalt  }
0x81: {  	_ =	shalt  }
0x82: {  	_ =	shalt  }
0x83: {  	_ =	shalt  }
0x84: {  	_ =	shalt  }
0x85: {  	_ =	shalt  }
0x86: {  	_ =	shalt  }
0x87: {  	_ =	shalt  }
.Lfunc_end0:
.L_simem_size_0:
called_computation_lowered:
.L_overlay_start_0:
0x88: {  	s2 =	sld [smem:$0x3FD9]  }
0x89: {  	s3 =	sld [smem:$0x3FFE];
	_ =	sdelay $0x1  }
0x8a: {  	s1 =	srdreg.scid  }
0x8b: {  	s0 =	sand.u32 $0x1, s1  }
0x8c: {  	s15 =	sshll.u32 s0, $0xA;
	s2 =	sadd.s32 s3, s2  }
0x8d: {  	s2 =	sadd.s32 s2, s15  }
0x8e: {  	[smem:$0x3FC2] =	sst s2  }
0x8f: {  	_ = 	snop  }
0x90: {  	s2 =	sld [smem:$0x3FD0];
	_ =	sdelay $0x1  }
0x91: {  	s16 =	sld [smem:$0x3FC6]  }
0x92: {  	s5 =	simm.s32 $0xA;
	s6 =	simm.s32 $0x10;
	s4 =	sld [smem:$0x3FC5]  }
0x93: {  	[smem:s6], [sflag:s5] =	dma.local [hbm:s2], $0x1  }
0x94: {  	_ =	swait.eq [sflag:s5], $0x1  }
0x95: {  	[sflag:s5] =	ssyncset.done $0x0  }
0x96: {  	[sflag:s5] =	ssyncadd.s32 $0xFFFFFFFF  }
0x97: {  	s17 =	sld [smem:$0x10];
	(tm) =	ssettm $0x1  }
0x98: {  	s18 =	sld [smem:$0x3FFB];
	_ =	sdelay $0x3  }
0x99: {  	_ =	strace s18  }
0x9a: {  	s5 =	sld [smem:$0x3FFC];
	_ =	sdelay $0x3  }
0x9b: {  	_ =	strace s5  }
0x9c: {  	s5 =	sld [smem:$0x3FFD];
	_ =	sdelay $0x3  }
0x9d: {  	_ =	strace s5  }
0x9e: {  	_ =	strace $0x8FFFFFFF  }
0x9f: {  	s19 =	sld [smem:$0x3FDB];
	_ =	sdelay $0x1  }
0xa0: {  	s20 =	simm.s32 $_scs_section_size  }
0xa1: {  	s7 =	simm.s32 $_size__tile_overlayer_lowered;
	s8 =	simm.s32 $_tile_overlayer_lowered  }
0xa2: {  	s23 =	simm.s32 $0x1BFF;
	s22 =	sshll.u32 s8, $0x1;
	s5 =	sadd.s32 s20, s19  }
0xa3: {  	s9 =	simm.s32 $0x0;
	s21 =	sshll.u32 s7, $0x1;
	s7 =	sadd.s32 s22, s5  }
0xa4: {  	[timem:s9], [sflag:s23] =	dma.local [hbm:s7], s21  }
0xa5: {  	_ =	swait.ge [sflag:s23], s21  }
0xa6: {  	s6 =	ssub.s32 $0x0, s21;
	[sflag:s23] =	ssyncset.done $0x0  }
0xa7: {  	[sflag:s23] =	ssyncadd.s32 s6;
	_ =	sdelay $0x1  }
0xa8: {  	s24 =	simm.s32 $0x1B8B  }
0xa9: {  	_ =	swait.ge [sflag:s24], $0x1  }
0xaa: {  	[sflag:s24] =	ssyncset.done $0x0  }
0xab: {  	s25 =	simm.s32 $0x1B8E;
	[sflag:s24] =	ssyncadd.s32 $0xFFFFFFFF  }
0xac: {  	s26 =	simm.s32 $execute0_lowered;
	[smem:$0x3FD2] =	sst s25  }
0xad: {  	s6 =	sshll.u32 s26, $0x1;
	_ =	strace $0x80000046;
	[dreg:$0x1] =	wrdreg $0xFFFFFFFF  }
0xae: {  	s28 =	simm.s32 $_size_execute0_lowered;
	s5 =	sadd.s32 s5, s6;
	[dreg:$0x0] =	wrdreg $0x0  }
0xaf: {  	s6 =	sshll.u32 s28, $0x1;
	[dreg:$0x2] =	wrdreg s5  }
0xb0: {  	[dreg:$0x3] =	wrdreg s6  }
0xb1: {  	[dreg:$0x4] =	wrdreg $0xC0  }
0xb2: {  	_ =	task [dreg:s9], $0x5FFFF  }
0xb3: {  	[dreg:$0x1] =	wrdreg $0xFFFFFFFF  }
0xb4: {  	[dreg:$0x0] =	wrdreg $0x60  }
0xb5: {  	[dreg:$0x2] =	wrdreg s16  }
0xb6: {  	[dreg:$0x3] =	wrdreg s4  }
0xb7: {  	[dreg:$0x4] =	wrdreg s17  }
0xb8: {  	[dreg:$0x5] =	wrdreg $0x9  }
0xb9: {  	_ =	task.clear_ibuf [dreg:s9], $0x6FFFF;
	_ =	strace $0x90000046  }
0xba: {  	s29 =	simm.s32 $0x9;
	_ =	strace $0x80000048  }
0xbb: {  	_ =	swait.ge [sflag:s29], $0x1  }
0xbc: {  	[sflag:s29] =	ssyncadd.s32 $0xFFFFFFFF  }
0xbd: {  	_ =	strace $0x90000048  }
0xbe: {  	_ =	sfence  }
0xbf: {  	s30 =	sld [smem:$0x0];
	_ =	sdelay $0x2  }
0xc0: {  	s31 =	sshll.u32 s1, $0xD;
	s1 =	sshrl.u32 s1, $0x2  }
0xc1: {  	s3 =	sand.u32 $0x4000, s31;
	s1 =	sadd.s32 s1, s30  }
0xc2: {  	s0 =	sor.u32 s3, s0;
	s1 =	sshll.u32 s1, $0x11  }
0xc3: {  	s0 =	sor.u32 s1, s0  }
0xc4: {  	s0 =	sadd.s32 $0x8F2B, s0  }
0xc5: {  	[sflag:s0] =	ssyncadd.remote.s32 $0x1  }
0xc6: {  	_ =	sfence.sel $0xFFFF  }
0xc7: {  	[dreg:$0x0] =	wrdreg $0xFFFFFFFF;
	(pc) =	sbr.abs _section_cstart, $3  }
0xc8: {  	[dreg:$0x1] =	wrdreg $0xFFFFFFFF  }
0xc9: {  	_ =	task.clear_ibuf [dreg:s9], $0x2FFFF;
	_ =	strace $0x9FFFFFFF  }
0xca: {  	(tm) =	ssettm $0x7FFFFFFF  }
0xcb: {  	_ =	shalt  }
tec
execute0_lowered:
.L_overlay_start_1:
0x0: {  	(tag) =	ssettag $0x1  }
0x1: {  	s2 =	rddreg [dreg:$0x0]  }
0x2: {  	s4 =	rddreg [dreg:$0x1]  }
0x3: {  	s14 =	rddreg [dreg:$0x2];
	s3 =	srdreg.scid  }
0x4: {  	s0 =	rddreg [dreg:$0x3];
	s1 =	stileid.u32;
	s15 =	sand.u32 $0x1, s3  }
0x5: {  	s3 =	simm.s32 $0x0;
	s5 =	sshll.u32 s1, $0x7;
	s6 =	sshll.u32 s15, $0x6  }
0x6: {  	[smem:$0x7FF] =	sst s3;
	s16 =	sor.u32 s6, s5  }
0x7: {  	_ =	strace $0x80000047;
	s5 =	sadd.s32 s4, s16;
	s4 =	simm.s32 $0x2  }
0x8: {  	[tilespmem:s3], [sflag:$0x2] =	stream.linear.gather [hbm4b:s5+s3], $0x200, $0x38;
	[tilespmem:$0x400] =	vst v63  }
0x9: {  	_ =	swait.ge [sflag:s4], $0x200  }
0xa: {  	[sflag:s4] =	ssyncset.done $0x0  }
0xb: {  	s7 =	simm.s32 $0x200;
	s6 =	simm.s32 $0x80;
	[sflag:s4] =	ssyncadd.s32 $0xFFFFFE00  }
0xc: {  	[tilespmem:s7], [sflag:$0x1] =	stream.indirect.gather [hbm4b:s2+s6], $0x1, s3, s6, $0xb8;
	[tilespmem:$0x400] =	vst v63  }
0xd: {  	s8 =	simm.s32 $0x280  }
0xe: {  	[tilespmem:s8], [sflag:$0x1] =	stream.indirect.gather [hbm4b:s2+s6], $0x1, s6, s6, $0xb8;
	[tilespmem:$0x400] =	vst v63  }
0xf: {  	s9 =	simm.s32 $0x100;
	s10 =	simm.s32 $0x300  }
0x10: {  	[tilespmem:s10], [sflag:$0x1] =	stream.indirect.gather [hbm4b:s2+s6], $0x1, s9, s6, $0xb8;
	[tilespmem:$0x400] =	vst v63  }
0x11: {  	s11 =	simm.s32 $0x180;
	s12 =	simm.s32 $0x380;
	s13 =	simm.s32 $0x1  }
0x12: {  	[tilespmem:s12], [sflag:$0x1] =	stream.indirect.gather [hbm4b:s2+s6], $0x1, s11, s6, $0xb8;
	[tilespmem:$0x400] =	vst v63  }
0x13: {  	_ =	swait.ge [sflag:s13], $0x80  }
0x14: {  	[sflag:s13] =	ssyncset.done $0x0  }
0x15: {  	[sflag:s13] =	ssyncadd.s32 $0xFFFFFF80  }
0x16: {  	_ =	swait.ge [sflag:s13], $0x80  }
0x17: {  	[sflag:s13] =	ssyncset.done $0x0  }
0x18: {  	s15 =	ssub.s32 $0x2, s15;
	[sflag:s13] =	ssyncadd.s32 $0xFFFFFF80  }
0x19: {  	s17 =	sshrl.u32 s15, $0x1;
	_ =	swait.ge [sflag:s13], $0x80  }
0x1a: {  	s15 =	ssub.s32 s15, s17;
	[sflag:s13] =	ssyncset.done $0x0  }
0x1b: {  	s15 =	smax.u32 s15, $0x1;
	[sflag:s13] =	ssyncadd.s32 $0xFFFFFF80  }
0x1c: {  	p0 =	sne.s32 s15, $0x1;
	_ =	swait.ge [sflag:s13], $0x80  }
.Ltmp0:
0x1d: {  	[sflag:s13] =	ssyncset.done $0x0;
	(pc) =	sbr.rel @!p0 .LBB2_2-.Ltmp0, $4  }
0x1e: {  	s14 =	sadd.s32 s14, s16;
	[sflag:s13] =	ssyncadd.s32 $0xFFFFFF80  }
0x1f: {  	[hbm4b:s14+s3] =	stream.linear.scatter [tilespmem:s7], [sflag:$0x2], $0x200, $0x38;
	[tilespmem:$0x400] =	vst v63  }
0x20: {  	_ =	swait.ge [sflag:s4], $0x200  }
0x21: {  	s15 =	sadd.s32 $0xFFFFFFFF, s15;
	[sflag:s4] =	ssyncset.done $0x0  }
.LBB2_1:
0x22: {  	p0 =	sne.s32 s15, $0x1;
	s15 =	sadd.s32 $0xFFFFFFFF, s15;
	[sflag:s4] =	ssyncadd.s32 $0xFFFFFE00  }
0x23: {  	[tilespmem:s3], [sflag:$0x2] =	stream.linear.gather [hbm4b:s5+s3], $0x200, $0x38;
	[tilespmem:$0x400] =	vst v63  }
0x24: {  	_ =	swait.ge [sflag:s4], $0x200  }
0x25: {  	[sflag:s4] =	ssyncset.done $0x0  }
0x26: {  	[sflag:s4] =	ssyncadd.s32 $0xFFFFFE00  }
0x27: {  	[tilespmem:s7], [sflag:$0x1] =	stream.indirect.gather [hbm4b:s2+s6], $0x1, s3, s6, $0xb8;
	[tilespmem:$0x400] =	vst v63  }
0x28: {  	_ = 	snop  }
0x29: {  	[tilespmem:s8], [sflag:$0x1] =	stream.indirect.gather [hbm4b:s2+s6], $0x1, s6, s6, $0xb8;
	[tilespmem:$0x400] =	vst v63  }
0x2a: {  	_ = 	snop  }
0x2b: {  	[tilespmem:s10], [sflag:$0x1] =	stream.indirect.gather [hbm4b:s2+s6], $0x1, s9, s6, $0xb8;
	[tilespmem:$0x400] =	vst v63  }
0x2c: {  	_ = 	snop  }
0x2d: {  	[tilespmem:s12], [sflag:$0x1] =	stream.indirect.gather [hbm4b:s2+s6], $0x1, s11, s6, $0xb8;
	[tilespmem:$0x400] =	vst v63  }
0x2e: {  	_ =	swait.ge [sflag:s13], $0x80  }
0x2f: {  	[sflag:s13] =	ssyncset.done $0x0  }
0x30: {  	[sflag:s13] =	ssyncadd.s32 $0xFFFFFF80  }
0x31: {  	_ =	swait.ge [sflag:s13], $0x80  }
0x32: {  	[sflag:s13] =	ssyncset.done $0x0  }
0x33: {  	[sflag:s13] =	ssyncadd.s32 $0xFFFFFF80  }
0x34: {  	_ =	swait.ge [sflag:s13], $0x80  }
0x35: {  	[sflag:s13] =	ssyncset.done $0x0  }
0x36: {  	[sflag:s13] =	ssyncadd.s32 $0xFFFFFF80  }
0x37: {  	_ =	swait.ge [sflag:s13], $0x80  }
.Ltmp1:
0x38: {  	[sflag:s13] =	ssyncset.done $0x0;
	(pc) =	sbr.rel @p0 .LBB2_1-.Ltmp1, $4  }
0x39: {  	[sflag:s13] =	ssyncadd.s32 $0xFFFFFF80  }
0x3a: {  	[hbm4b:s14+s3] =	stream.linear.scatter [tilespmem:s7], [sflag:$0x2], $0x200, $0x38;
	[tilespmem:$0x400] =	vst v63  }
0x3b: {  	_ =	swait.ge [sflag:s4], $0x200  }
0x3c: {  	[sflag:s4] =	ssyncset.done $0x0  }
.LBB2_2:
0x3d: {  	[sflag:s4] =	ssyncadd.s32 $0xFFFFFE00  }
0x3e: {  	_ =	sfence.sel $0x180000  }
0x3f: {  	[bflag:$0x0] =	sbarrier.arrive $0xFFFF  }
0x40: {  	p0 =	sne.s32 s1, $0x0;
	_ =	strace $0x90000047  }
0x41: {  	s0 =	sadd.s32 @!p0 $0x100000, s0;
	[bflag:$0x2] =	sbarrier.arrive $0xFFFF  }
0x42: {  	[sflag:s0] =	ssyncadd.tile.s32 @!p0 $0x1;
	_ =	shalt  }
.Lfunc_end2:
_tile_overlayer_lowered:
.L_overlay_start_2:
0x43: {  	(tag) =	ssettag $0x2  }
0x44: {  	s0 =	rddreg [dreg:$0x0];
	s2 =	stileid.u32  }
0x45: {  	s1 =	rddreg [dreg:$0x1];
	p0 =	sne.s32 s2, $0x0  }
0x46: {  	s3 =	rddreg [dreg:$0x2];
	[bflag:$0x3] =	sbarrier.arrive $0xFFFF;
	s2 =	simm.s32 @!p0 $0x1C02  }
0x47: {  	[timem:s3], [sflag:s2] =	dma.local @!p0 [hbm:s0], s1  }
0x48: {  	s0 =	simm.s32 @!p0 $0x2  }
0x49: {  	_ =	swait.ge @!p0 [sflag:s0], s1  }
0x4a: {  	s1 =	ssub.s32 @!p0 $0x0, s1;
	[sflag:s0] =	ssyncset.done @!p0 $0x0  }
0x4b: {  	[sflag:s0] =	ssyncadd.s32 @!p0 s1  }
0x4c: {  	[bflag:$0x3] =	sbarrier.arrive $0xFFFF  }
0x4d: {  	_ =	shalt  }

// kernel: kernel.8.cloned.1.call-start
scs
__scs_entry_jumppad:
0x0: {  	(pc) =	sbr.rel $0x88, $3  }
0x1: {  	(tag) =	ssettag $0x0;
	lr =	simm.s32 $0x1  }
0x2: {  	[smem:$0x3F9B] =	sst lr;
	_ =	strace $0xD0000000  }
0x3: {  	_ = 	snop  }
0x4: {  	_ = 	snop  }
0x5: {  	_ = 	snop  }
0x6: {  	_ = 	snop  }
0x7: {  	_ = 	snop  }
__scs_overlays_trampoline_lowered:
0x8: {  	[smem:$0x3FAA] =	sst s0  }
0x9: {  	[smem:$0x3FAB] =	sst s1  }
0xa: {  	[smem:$0x3FAC] =	sst s2  }
0xb: {  	[smem:$0x3FAD] =	sst s3  }
0xc: {  	[smem:$0x3FAE] =	sst s4  }
0xd: {  	[smem:$0x3FAF] =	sst s5  }
0xe: {  	[smem:$0x3FB0] =	sst s6  }
0xf: {  	[smem:$0x3FB1] =	sst s7  }
0x10: {  	[smem:$0x3FB2] =	sst s8  }
0x11: {  	[smem:$0x3FB3] =	sst s9;
	s0 =	simm.s32 @!p0 $0x0  }
0x12: {  	s1 =	sld [smem:$0x3F99];
	s0 =	simm.s32 @p0 $0x1  }
0x13: {  	[smem:$0x3FB4] =	sst s0;
	s0 =	simm.s32 @!p1 $0x0  }
0x14: {  	s2 =	sld [smem:$0x3F98];
	s0 =	simm.s32 @p1 $0x1  }
0x15: {  	[smem:$0x3FB5] =	sst s0;
	s0 =	simm.s32 @!p2 $0x0  }
0x16: {  	s3 =	sld [smem:$0x3FDB];
	s0 =	simm.s32 @p2 $0x1  }
0x17: {  	s4 =	simm.s32 $0x1BF5;
	[smem:$0x3FB7] =	sst s0  }
0x18: {  	s0 =	sld [smem:$0x3F9A];
	_ =	swait.ge [sflag:s4], $0x0  }
0x19: {  	s7 =	sld [smem:$0x3F9B]  }
0x1a: {  	s8 =	sadd.s32 $0xFFFFE003, lr  }
0x1b: {  	s9 =	sadd.s32 $0xFFFFFEF7, lr;
	s5 =	simm.s32 $0xFFFFFFFF;
	p2 =	slt.u32 s8, $0xFFFFF086  }
0x1c: {  	p1 =	slt.u32 s9, $0xF7A;
	s5 =	simm.s32 @!p2 $0x0  }
0x1d: {  	s5 =	simm.s32 @p1 $0x1;
	p0 =	seq.s32 s7, s2  }
0x1e: {  	s7 =	smul.u32 @!p0 $0xF7A, s2;
	p2 =	seq.s32 @!p0 s5, $0x0  }
0x1f: {  	s9 =	smul.u32 $0xF7A, s1;
	s8 =	simm.s32 @!p0 $0x1BF5;
	p2 =	por !p2, p0  }
0x20: {  	[sflag:s8] =	ssyncset.s32 @!p0 $0xFFFFF086;
	s6 =	sadd.s32 @!p0 s3, s7;
	s7 =	simm.s32 @!p0 $0x108  }
0x21: {  	s3 =	sadd.s32 s3, s9;
	s6 =	sadd.s32 @!p0 $0x88, s6;
	s7 =	simm.s32 @p2 $0x1082  }
0x22: {  	[simem:s7], [sflag:s8] =	dma.local @!p0 [hbm:s6], $0xF7A  }
0x23: {  	s9 =	sor.u32 $0xD0000000, s2;
	s6 =	simm.s32 $0x108;
	_ =	swait.ge @!p0 [sflag:s8], $0x0  }
0x24: {  	s3 =	sadd.s32 $0x88, s3;
	s6 =	simm.s32 @!p1 $0x1082;
	[sflag:s4] =	ssyncset.s32 $0xFFFFF086  }
0x25: {  	[simem:s6], [sflag:s4] =	dma.local [hbm:s3], $0xF7A  }
0x26: {  	[smem:$0x3F9B] =	sst s1;
	(tag) =	ssettag s2;
	_ =	strace s9  }
0x27: {  	s1 =	sld [smem:$0x3FAB]  }
0x28: {  	s2 =	sld [smem:$0x3FAC]  }
0x29: {  	s4 =	sld [smem:$0x3FAE]  }
0x2a: {  	p0 =	seq.s32 s5, $0x0;
	s5 =	sld [smem:$0x3FAF]  }
0x2b: {  	s6 =	sld [smem:$0x3FB0]  }
0x2c: {  	s7 =	sld [smem:$0x3FB1]  }
0x2d: {  	s3 =	simm.s32 $0x108;
	s8 =	sld [smem:$0x3FB2]  }
0x2e: {  	s3 =	simm.s32 @!p0 $0x1082;
	s9 =	sld [smem:$0x3FB3]  }
0x2f: {  	lr =	sadd.s32 s0, s3;
	s0 =	sld [smem:$0x3FAA]  }
0x30: {  	s3 =	sld [smem:$0x3FAD]  }
0x31: {  	[smem:$0x3FB6] =	sst s10  }
0x32: {  	s10 =	sld [smem:$0x3FB4];
	_ =	sdelay $0x3  }
0x33: {  	p0 =	seq.s32 s10, $0x1;
	s10 =	sld [smem:$0x3FB6];
	_ =	sdelay $0x3  }
0x34: {  	[smem:$0x3FB6] =	sst s10  }
0x35: {  	s10 =	sld [smem:$0x3FB5];
	_ =	sdelay $0x3  }
0x36: {  	p1 =	seq.s32 s10, $0x1;
	s10 =	sld [smem:$0x3FB6];
	_ =	sdelay $0x3  }
0x37: {  	[smem:$0x3FB6] =	sst s10  }
0x38: {  	s10 =	sld [smem:$0x3FB7]  }
0x39: {  	_ = 	snop;
	(pc) =	sbr.ind lr, $3  }
0x3a: {  	_ = 	snop  }
0x3b: {  	_ = 	snop  }
0x3c: {  	p2 =	seq.s32 s10, $0x1;
	s10 =	sld [smem:$0x3FB6]  }
0x3d: {  	_ =	shalt  }
0x3e: {  	_ =	shalt  }
0x3f: {  	_ =	shalt  }
0x40: {  	_ =	shalt  }
0x41: {  	_ =	shalt  }
0x42: {  	_ =	shalt  }
0x43: {  	_ =	shalt  }
0x44: {  	_ =	shalt  }
0x45: {  	_ =	shalt  }
0x46: {  	_ =	shalt  }
0x47: {  	_ =	shalt  }
0x48: {  	_ =	shalt  }
0x49: {  	_ =	shalt  }
0x4a: {  	_ =	shalt  }
0x4b: {  	_ =	shalt  }
0x4c: {  	_ =	shalt  }
0x4d: {  	_ =	shalt  }
0x4e: {  	_ =	shalt  }
0x4f: {  	_ =	shalt  }
0x50: {  	_ =	shalt  }
0x51: {  	_ =	shalt  }
0x52: {  	_ =	shalt  }
0x53: {  	_ =	shalt  }
0x54: {  	_ =	shalt  }
0x55: {  	_ =	shalt  }
0x56: {  	_ =	shalt  }
0x57: {  	_ =	shalt  }
0x58: {  	_ =	shalt  }
0x59: {  	_ =	shalt  }
0x5a: {  	_ =	shalt  }
0x5b: {  	_ =	shalt  }
0x5c: {  	_ =	shalt  }
0x5d: {  	_ =	shalt  }
0x5e: {  	_ =	shalt  }
0x5f: {  	_ =	shalt  }
0x60: {  	_ =	shalt  }
0x61: {  	_ =	shalt  }
0x62: {  	_ =	shalt  }
0x63: {  	_ =	shalt  }
0x64: {  	_ =	shalt  }
0x65: {  	_ =	shalt  }
0x66: {  	_ =	shalt  }
0x67: {  	_ =	shalt  }
0x68: {  	_ =	shalt  }
0x69: {  	_ =	shalt  }
0x6a: {  	_ =	shalt  }
0x6b: {  	_ =	shalt  }
0x6c: {  	_ =	shalt  }
0x6d: {  	_ =	shalt  }
0x6e: {  	_ =	shalt  }
0x6f: {  	_ =	shalt  }
0x70: {  	_ =	shalt  }
0x71: {  	_ =	shalt  }
0x72: {  	_ =	shalt  }
0x73: {  	_ =	shalt  }
0x74: {  	_ =	shalt  }
0x75: {  	_ =	shalt  }
0x76: {  	_ =	shalt  }
0x77: {  	_ =	shalt  }
0x78: {  	_ =	shalt  }
0x79: {  	_ =	shalt  }
0x7a: {  	_ =	shalt  }
0x7b: {  	_ =	shalt  }
0x7c: {  	_ =	shalt  }
0x7d: {  	_ =	shalt  }
0x7e: {  	_ =	shalt  }
0x7f: {  	_ =	shalt  }
0x80: {  	_ =	shalt  }
0x81: {  	_ =	shalt  }
0x82: {  	_ =	shalt  }
0x83: {  	_ =	shalt  }
0x84: {  	_ =	shalt  }
0x85: {  	_ =	shalt  }
0x86: {  	_ =	shalt  }
0x87: {  	_ =	shalt  }
.Lfunc_end0:
.L_simem_size_0:
called_computation.1_lowered:
.L_overlay_start_0:
0x88: {  	s2 =	sld [smem:$0x3FD9]  }
0x89: {  	s3 =	sld [smem:$0x3FFE];
	_ =	sdelay $0x1  }
0x8a: {  	s1 =	srdreg.scid  }
0x8b: {  	s0 =	sand.u32 $0x1, s1  }
0x8c: {  	s14 =	sshll.u32 s0, $0xA;
	s2 =	sadd.s32 s3, s2  }
0x8d: {  	s2 =	sadd.s32 s2, s14  }
0x8e: {  	[smem:$0x3FC2] =	sst s2  }
0x8f: {  	_ = 	snop  }
0x90: {  	s2 =	sld [smem:$0x3FD0];
	_ =	sdelay $0x1  }
0x91: {  	s15 =	sld [smem:$0x3FC7]  }
0x92: {  	s5 =	simm.s32 $0xA;
	s6 =	simm.s32 $0x10;
	s4 =	sld [smem:$0x3FC6]  }
0x93: {  	[smem:s6], [sflag:s5] =	dma.local [hbm:s2], $0x1  }
0x94: {  	_ =	swait.eq [sflag:s5], $0x1  }
0x95: {  	[sflag:s5] =	ssyncset.done $0x0  }
0x96: {  	s16 =	sld [smem:$0x10];
	[sflag:s5] =	ssyncadd.s32 $0xFFFFFFFF  }
0x97: {  	s17 =	sld [smem:$0x11];
	(tm) =	ssettm $0x1  }
0x98: {  	s18 =	sld [smem:$0x3FFB];
	_ =	sdelay $0x3  }
0x99: {  	_ =	strace s18  }
0x9a: {  	s6 =	sld [smem:$0x3FFC];
	_ =	sdelay $0x3  }
0x9b: {  	_ =	strace s6  }
0x9c: {  	s6 =	sld [smem:$0x3FFD];
	_ =	sdelay $0x3  }
0x9d: {  	_ =	strace s6  }
0x9e: {  	_ =	strace $0x8FFFFFFF  }
0x9f: {  	s19 =	sld [smem:$0x3FDB];
	_ =	sdelay $0x1  }
0xa0: {  	s7 =	simm.s32 $_scs_section_size  }
0xa1: {  	s8 =	simm.s32 $_size__tile_overlayer_lowered;
	s9 =	simm.s32 $_tile_overlayer_lowered  }
0xa2: {  	s22 =	simm.s32 $0x1BFF;
	s21 =	sshll.u32 s9, $0x1;
	s6 =	sadd.s32 s7, s19  }
0xa3: {  	s10 =	simm.s32 $0x0;
	s20 =	sshll.u32 s8, $0x1;
	s8 =	sadd.s32 s21, s6  }
0xa4: {  	[timem:s10], [sflag:s22] =	dma.local [hbm:s8], s20  }
0xa5: {  	_ =	swait.ge [sflag:s22], s20  }
0xa6: {  	s7 =	ssub.s32 $0x0, s20;
	[sflag:s22] =	ssyncset.done $0x0  }
0xa7: {  	[sflag:s22] =	ssyncadd.s32 s7;
	_ =	sdelay $0x1  }
0xa8: {  	s23 =	simm.s32 $0x1B8B  }
0xa9: {  	_ =	swait.ge [sflag:s23], $0x1  }
0xaa: {  	[sflag:s23] =	ssyncset.done $0x0  }
0xab: {  	s25 =	simm.s32 $0x1B8E;
	s24 =	sld [smem:$0x3FFE];
	[sflag:s23] =	ssyncadd.s32 $0xFFFFFFFF  }
0xac: {  	s26 =	simm.s32 $execute0_lowered;
	[smem:$0x3FD2] =	sst s25  }
0xad: {  	s8 =	sshll.u32 s26, $0x1;
	_ =	strace $0x80000049;
	[dreg:$0x1] =	wrdreg $0xFFFFFFFF  }
0xae: {  	s28 =	simm.s32 $_size_execute0_lowered;
	s6 =	sadd.s32 s6, s8;
	[dreg:$0x0] =	wrdreg $0x0  }
0xaf: {  	s8 =	sshll.u32 s28, $0x1;
	[dreg:$0x2] =	wrdreg s6  }
0xb0: {  	[dreg:$0x3] =	wrdreg s8  }
0xb1: {  	[dreg:$0x4] =	wrdreg $0xC0  }
0xb2: {  	_ =	task [dreg:s10], $0x5FFFF  }
0xb3: {  	[dreg:$0x1] =	wrdreg $0xFFFFFFFF  }
0xb4: {  	[dreg:$0x0] =	wrdreg $0x60  }
0xb5: {  	[dreg:$0x2] =	wrdreg s4  }
0xb6: {  	[dreg:$0x3] =	wrdreg s24  }
0xb7: {  	[dreg:$0x4] =	wrdreg s15  }
0xb8: {  	[dreg:$0x5] =	wrdreg s16  }
0xb9: {  	[dreg:$0x6] =	wrdreg s17  }
0xba: {  	[dreg:$0x7] =	wrdreg $0x95000  }
0xbb: {  	[dreg:$0x8] =	wrdreg $0x9  }
0xbc: {  	_ =	task.clear_ibuf [dreg:s10], $0x9FFFF;
	_ =	strace $0x90000049  }
0xbd: {  	s29 =	simm.s32 $0x9;
	_ =	strace $0x8000004B  }
0xbe: {  	_ =	swait.ge [sflag:s29], $0x1  }
0xbf: {  	[sflag:s29] =	ssyncadd.s32 $0xFFFFFFFF  }
0xc0: {  	_ =	strace $0x9000004B  }
0xc1: {  	_ =	sfence  }
0xc2: {  	s30 =	sld [smem:$0x0];
	_ =	sdelay $0x2  }
0xc3: {  	s31 =	sshll.u32 s1, $0xD;
	s1 =	sshrl.u32 s1, $0x2  }
0xc4: {  	s3 =	sand.u32 $0x4000, s31;
	s1 =	sadd.s32 s1, s30  }
0xc5: {  	s0 =	sor.u32 s3, s0;
	s1 =	sshll.u32 s1, $0x11  }
0xc6: {  	s0 =	sor.u32 s1, s0  }
0xc7: {  	s0 =	sadd.s32 $0x8F2B, s0  }
0xc8: {  	[sflag:s0] =	ssyncadd.remote.s32 $0x1  }
0xc9: {  	_ =	sfence.sel $0xFFFF  }
0xca: {  	[dreg:$0x0] =	wrdreg $0xFFFFFFFF;
	(pc) =	sbr.abs _section_cstart, $3  }
0xcb: {  	[dreg:$0x1] =	wrdreg $0xFFFFFFFF  }
0xcc: {  	_ =	task.clear_ibuf [dreg:s10], $0x2FFFF;
	_ =	strace $0x9FFFFFFF  }
0xcd: {  	(tm) =	ssettm $0x7FFFFFFF  }
tec
execute0_lowered:
.L_overlay_start_1:
0x0: {  	(tag) =	ssettag $0x1  }
0x1: {  	s9 =	rddreg [dreg:$0x0]  }
0x2: {  	s3 =	rddreg [dreg:$0x1]  }
0x3: {  	s6 =	rddreg [dreg:$0x2]  }
0x4: {  	s13 =	rddreg [dreg:$0x3]  }
0x5: {  	s12 =	rddreg [dreg:$0x4]  }
0x6: {  	s1 =	rddreg [dreg:$0x5]  }
0x7: {  	s2 =	srdreg.scid;
	s21 =	stileid.u32;
	s19 =	simm.s32 $0x1980  }
0x8: {  	s20 =	simm.s32 $0x1400;
	s22 =	simm.s32 $0x10;
	s24 =	simm.s32 $0x1800  }
0x9: {  	s25 =	simm.s32 $0x1000;
	s26 =	simm.s32 $0xC00;
	s28 =	simm.s32 $0x1900  }
0xa: {  	s29 =	simm.s32 $0x1600;
	s14 =	sand.u32 $0x1, s2;
	s2 =	simm.s32 $0x0  }
0xb: {  	s8 =	smul.u32 $0x7A10, s21;
	s7 =	sshll.u32 s21, $0x7;
	p0 =	sne.s32 s21, $0x0  }
0xc: {  	p2 =	sne.s32 s21, $0xF;
	s21 =	simm.s32 $0x1;
	s23 =	smul.u32 $0x7A120, s14  }
0xd: {  	[smem:$0x7FF] =	sst s2;
	s5 =	sadd.s32 s7, s3;
	s4 =	ssub.s32 $0x2, s14  }
0xe: {  	s3 =	sadd.s32 $0x1200, s3;
	s30 =	sshll.u32 s14, $0x6;
	p1 =	seq.s32 s14, $0x1  }
0xf: {  	_ =	strace $0x8000004A;
	s11 =	sshrl.u32 s4, $0x1;
	s5 =	sadd.s32 $0x1400, s5  }
0x10: {  	s17 =	sor.u32 s30, s7;
	s7 =	sadd.s32 $0x7A128, s1;
	s10 =	sadd.s32 s8, s23  }
0x11: {  	s16 =	ssub.s32 s4, s11;
	s31 =	sshrl.u32 s23, $0x3;
	s6 =	sadd.s32 s6, s17  }
.Ltmp0:
0x12: {  	s8 =	sadd.s32 s8, s1;
	s13 =	sadd.s32 s13, s17;
	(pc) =	sbr.rel .LBB2_1-.Ltmp0, $4  }
0x13: {  	v21 =	vmov s23;
	s23 =	simm.s32 $0x1880;
	s15 =	sshrl.u32 s10, $0x3;
	s18 =	sadd.s32 $0xF420, s31  }
0x14: {  	v1 =	vlaneseq.u32;
	s10 =	sadd.s32 $0x7A100, s1;
	s14 =	smax.u32 s16, $0x1;
	s16 =	simm.s32 $0x400  }
0x15: {  	v0 =	vadd.s32 $0x7A128, v1;
	s4 =	sadd.s32 s9, s15;
	s9 =	sadd.s32 s9, s18;
	s11 =	sadd.s32 s12, s15  }
0x16: {  	vm0 =	vmmov $0x1;
	vm1 =	vcmask $0x308;
	[tilespmem:$0x1FFF0] =	vst v0;
	s12 =	sadd.s32 s12, s18;
	s15 =	simm.s32 $0x1A00;
	s18 =	simm.s32 $0x2  }
.LBB2_3:
0x17: {  	v0 =	vld [tilespmem:$0xE00]  }
0x18: {  	v1 =	vld [tilespmem:$0x1410]  }
0x19: {  	v6 =	vld [tilespmem:$0xE10]  }
0x1a: {  	v7 =	vld [tilespmem:$0x1420]  }
0x1b: {  	v8 =	vld [tilespmem:$0x1430]  }
0x1c: {  	v9 =	vld [tilespmem:$0x1440]  }
0x1d: {  	v10 =	vld [tilespmem:$0xE30]  }
0x1e: {  	v61 =	vld [tilespmem:$0xE40]  }
0x1f: {  	v62 =	vld [tilespmem:$0x1450]  }
0x20: {  	v11 =	vld [tilespmem:$0xE60]  }
0x21: {  	v13 =	vld [tilespmem:$0xE70]  }
0x22: {  	v63 =	vld [tilespmem:$0xE50]  }
0x23: {  	v12 =	vld [tilespmem:$0x1460];
	(erf) = vrcp.f32 v1;
	v0 =	vmul.f32 v0, v4  }
0x24: {  	v24 =	vld [tilespmem:$0x1470];
	v6 =	vmul.f32 v6, v4;
	v10 =	vmul.f32 v10, v4  }
0x25: {  	v26 =	vld [tilespmem:$0xE80];
	v11 =	vmul.f32 v11, v4;
	(erf) = vrcp.f32 v7  }
0x26: {  	v36 =	vld [tilespmem:$0xEB0];
	v13 =	vmul.f32 v13, v4;
	v7 =	vmul.f32 v61, v4  }
0x27: {  	v1 =	vld [tilespmem:$0xE20];
	(erf) = vrcp.f32 v8;
	v0 =	vsub.f32 v0, v3;
	v6 =	vsub.f32 v6, v3  }
0x28: {  	v15 =	vld [tilespmem:$0x1480];
	v10 =	vsub.f32 v10, v3;
	(erf) = vrcp.f32 v9;
	v9 =	vmul.f32 v63, v4  }
0x29: {  	v27 =	vld [tilespmem:$0x1490];
	v13 =	vsub.f32 v13, v3;
	v0 =	vmul.f32 v0, v2;
	v6 =	vmul.f32 v6, v2  }
0x2a: {  	v29 =	vld [tilespmem:$0x14A0];
	v11 =	vsub.f32 v11, v3;
	(erf) = vrcp.f32 v62;
	v10 =	vmul.f32 v10, v2  }
0x2b: {  	v30 =	vld [tilespmem:$0xE90];
	v7 =	vsub.f32 v7, v3;
	v35 =	vmul.f32 v13, v2;
	v13 =	vmul.f32 v36, v4  }
0x2c: {  	v31 =	vld [tilespmem:$0xEA0];
	v34 =	vmul.f32 v11, v2;
	v1 =	vmul.f32 v1, v4  }
0x2d: {  	v32 =	vld [tilespmem:$0x14B0];
	v7 =	vmul.f32 v7, v2;
	v9 =	vsub.f32 v9, v3;
	v13 =	vsub.f32 v13, v3;
	v25 =	vpop (erf)  }
0x2e: {  	v43 =	vld [tilespmem:$0xEF0];
	v0 =	vmul.f32 v0, v5;
	v1 =	vsub.f32 v1, v3;
	v14 =	vpop (erf);
	(erf) = vrcp.f32 v12  }
0x2f: {  	v33 =	vld [tilespmem:$0x14C0];
	v9 =	vmul.f32 v9, v2;
	v13 =	vmul.f32 v13, v2  }
0x30: {  	v37 =	vld [tilespmem:$0xEC0];
	v1 =	vmul.f32 v1, v2;
	v16 =	vpop (erf);
	(erf) = vrcp.f32 v24  }
0x31: {  	v44 =	vld [tilespmem:$0xF10];
	v5 =	vmul.f32 v6, v25;
	v28 =	vpop (erf);
	(erf) = vrcp.f32 v15  }
0x32: {  	v38 =	vld [tilespmem:$0x14D0];
	v6 =	vmul.f32 v26, v4;
	(erf) = vrcp.f32 v27  }
0x33: {  	v46 =	vld [tilespmem:$0xF30];
	v12 =	vmul.f32 v43, v4;
	v1 =	vmul.f32 v1, v14  }
0x34: {  	v39 =	vld [tilespmem:$0x14E0];
	v14 =	vmul.f32 v30, v4;
	v17 =	vpop (erf);
	(erf) = vrcp.f32 v29  }
0x35: {  	v40 =	vld [tilespmem:$0xED0];
	v10 =	vmul.f32 v10, v16;
	(erf) = vrcp.f32 v32  }
0x36: {  	v41 =	vld [tilespmem:$0xEE0];
	v16 =	vmul.f32 v31, v4;
	v6 =	vsub.f32 v6, v3;
	v15 =	vmul.f32 v44, v4  }
0x37: {  	v12 =	vsub.f32 v12, v3;
	v7 =	vmul.f32 v7, v28;
	v27 =	vld [tilespmem:$0xF40];
	v18 =	vpop (erf);
	(erf) = vrcp.f32 v33  }
0x38: {  	v22 =	vld [tilespmem:$0x14F0];
	v14 =	vsub.f32 v14, v3;
	[tilespmem:$0x1620] =	vst v1;
	v1 =	vmul.f32 v46, v4;
	v9 =	vmul.f32 v9, v17  }
0x39: {  	v42 =	vld [tilespmem:$0x1500];
	v16 =	vsub.f32 v16, v3;
	v6 =	vmul.f32 v6, v2;
	v17 =	vmul.f32 v37, v4;
	v19 =	vpop (erf)  }
0x3a: {  	v45 =	vld [tilespmem:$0xF20];
	v12 =	vmul.f32 v12, v2;
	v15 =	vsub.f32 v15, v3;
	v14 =	vmul.f32 v14, v2;
	v20 =	vpop (erf)  }
0x3b: {  	v48 =	vld [tilespmem:$0x1550];
	v16 =	vmul.f32 v16, v2;
	v23 =	vpop (erf);
	(erf) = vrcp.f32 v38  }
0x3c: {  	v53 =	vld [tilespmem:$0xF70];
	v51 =	vmul.f32 v15, v2;
	v57 =	vmul.f32 v27, v4  }
0x3d: {  	v55 =	vld [tilespmem:$0x1580];
	v6 =	vmul.f32 v6, v20;
	v20 =	vpop (erf);
	(erf) = vrcp.f32 v39  }
0x3e: {  	v14 =	vmul.f32 v14, v23;
	v23 =	vld [tilespmem:$0x1510];
	v24 =	vpop (erf);
	(erf) = vrcp.f32 v22  }
0x3f: {  	v1 =	vsub.f32 v1, v3;
	v8 =	vmul.f32 v34, v18;
	v18 =	vmul.f32 v40, v4;
	v22 =	vld [tilespmem:$0x1520]  }
0x40: {  	v17 =	vsub.f32 v17, v3;
	v16 =	vmul.f32 v16, v20;
	v20 =	vld [tilespmem:$0xF00];
	v25 =	vpop (erf);
	(erf) = vrcp.f32 v42  }
0x41: {  	v59 =	vld [tilespmem:$0xF90];
	v60 =	vsub.f32 v57, v3;
	v11 =	vmul.f32 v35, v19;
	v19 =	vmul.f32 v41, v4  }
0x42: {  	v62 =	vld [tilespmem:$0x1590];
	v1 =	vmul.f32 v1, v2;
	v17 =	vmul.f32 v17, v2;
	v18 =	vsub.f32 v18, v3  }
0x43: {  	[tilespmem:$0x1660] =	vst v8;
	v8 =	vmul.f32 v60, v2;
	v19 =	vsub.f32 v19, v3;
	(erf) = vrcp.f32 v23;
	v23 =	vld [tilespmem:$0x1530]  }
0x44: {  	v18 =	vmul.f32 v18, v2;
	v26 =	vpop (erf);
	(erf) = vrcp.f32 v22;
	v22 =	vld [tilespmem:$0x1540]  }
0x45: {  	v44 =	vld [tilespmem:$0xFD0];
	v19 =	vmul.f32 v19, v2;
	v20 =	vmul.f32 v20, v4  }
0x46: {  	v28 =	vld [tilespmem:$0x1560];
	v13 =	vmul.f32 v13, v24;
	v24 =	vmul.f32 v45, v4;
	v47 =	vpop (erf)  }
0x47: {  	v33 =	vld [tilespmem:$0x15B0];
	v17 =	vmul.f32 v17, v25;
	v20 =	vsub.f32 v20, v3;
	v19 =	vmul.f32 v19, v47;
	v29 =	vpop (erf)  }
0x48: {  	[tilespmem:$0x1600] =	vst v0;
	v52 =	vsub.f32 v24, v3;
	v47 =	vld [tilespmem:$0xFE0];
	(erf) = vrcp.f32 v23;
	v0 =	vmul.f32 v12, v29  }
0x49: {  	v20 =	vmul.f32 v20, v2;
	v23 =	vld [tilespmem:$0x1570];
	v49 =	vpop (erf);
	(erf) = vrcp.f32 v22  }
0x4a: {  	v41 =	vld [tilespmem:$0xFC0];
	v15 =	vmul.f32 v52, v2;
	[tilespmem:$0x16F0] =	vst v0;
	v0 =	vmul.f32 v59, v4  }
0x4b: {  	[tilespmem:$0x1610] =	vst v5;
	v50 =	vmul.f32 v20, v49;
	v20 =	vld [tilespmem:$0xF60];
	(erf) = vrcp.f32 v48  }
0x4c: {  	[tilespmem:$0x1630] =	vst v10;
	v52 =	vmul.f32 v44, v4;
	v29 =	vld [tilespmem:$0x15A0];
	v54 =	vpop (erf);
	(erf) = vrcp.f32 v28  }
0x4d: {  	[tilespmem:$0x1640] =	vst v7;
	v18 =	vmul.f32 v18, v26;
	v22 =	vld [tilespmem:$0xF50];
	v0 =	vsub.f32 v0, v3;
	v58 =	vmul.f32 v51, v54  }
0x4e: {  	[tilespmem:$0x1650] =	vst v9;
	v49 =	vld [tilespmem:$0xFF0];
	v54 =	vmul.f32 v47, v4;
	v56 =	vpop (erf);
	(erf) = vrcp.f32 v23  }
0x4f: {  	v35 =	vld [tilespmem:$0x15C0];
	[tilespmem:$0x1700] =	vst v50;
	v0 =	vmul.f32 v0, v2;
	v50 =	vmul.f32 v41, v4  }
0x50: {  	[tilespmem:$0x1670] =	vst v11;
	v23 =	vld [tilespmem:$0xF80];
	v7 =	vmul.f32 v15, v56;
	v63 =	vmul.f32 v20, v4  }
0x51: {  	v37 =	vld [tilespmem:$0x15D0];
	[tilespmem:$0x1680] =	vst v6;
	v20 =	vmul.f32 v53, v4;
	v28 =	vpop (erf);
	(erf) = vrcp.f32 v55  }
0x52: {  	v39 =	vld [tilespmem:$0x15E0];
	[tilespmem:$0x1690] =	vst v14;
	v61 =	vmul.f32 v22, v4;
	v30 =	vpop (erf);
	(erf) = vrcp.f32 v62  }
0x53: {  	[tilespmem:$0x1710] =	vst v58;
	v58 =	vmul.f32 v49, v4;
	v31 =	vsub.f32 v20, v3;
	v20 =	vld [tilespmem:$0xFB0];
	(erf) = vrcp.f32 v29  }
0x54: {  	[tilespmem:$0x16A0] =	vst v16;
	v22 =	vld [tilespmem:$0xFA0];
	v12 =	vsub.f32 v61, v3;
	v1 =	vmul.f32 v1, v28;
	v34 =	vpop (erf);
	(erf) = vrcp.f32 v33  }
0x55: {  	[tilespmem:$0x16B0] =	vst v13;
	v11 =	vsub.f32 v63, v3;
	v23 =	vmul.f32 v23, v4;
	v36 =	vpop (erf);
	(erf) = vrcp.f32 v35  }
0x56: {  	v42 =	vld [tilespmem:$0x15F0];
	[tilespmem:$0x16C0] =	vst v17;
	v32 =	vmul.f32 v12, v2;
	(erf) = vrcp.f32 v37  }
0x57: {  	[tilespmem:$0x16D0] =	vst v18;
	v6 =	vmul.f32 v8, v30;
	v11 =	vmul.f32 v11, v2  }
0x58: {  	[tilespmem:$0x16E0] =	vst v19;
	v14 =	vmul.f32 v31, v2;
	v48 =	vmul.f32 v20, v4  }
0x59: {  	[tilespmem:$0x1720] =	vst v7;
	v40 =	vsub.f32 v23, v3;
	v46 =	vmul.f32 v22, v4;
	v38 =	vpop (erf);
	(erf) = vrcp.f32 v39  }
0x5a: {  	[tilespmem:$0x1730] =	vst v1;
	v8 =	vmul.f32 v32, v34;
	v11 =	vmul.f32 v11, v36;
	v45 =	vpop (erf);
	v7 =	vsub.f32 v48, v3  }
0x5b: {  	v43 =	vmul.f32 v40, v2;
	v1 =	vsub.f32 v46, v3;
	[tilespmem:$0x1740] =	vst v6;
	(erf) = vrcp.f32 v42;
	v51 =	vpop (erf)  }
0x5c: {  	[tilespmem:$0x1750] =	vst v8;
	v8 =	vsub.f32 v52, v3;
	v7 =	vmul.f32 v7, v2;
	v53 =	vpop (erf);
	v0 =	vmul.f32 v0, v51  }
0x5d: {  	v6 =	vsub.f32 v50, v3;
	v13 =	vmul.f32 v14, v38;
	v1 =	vmul.f32 v1, v2;
	[tilespmem:$0x1760] =	vst v11;
	v55 =	vpop (erf)  }
0x5e: {  	v60 =	vmul.f32 v8, v2;
	v59 =	vpop (erf);
	[tilespmem:$0x1790] =	vst v0;
	v0 =	vmul.f32 v7, v55  }
0x5f: {  	v57 =	vsub.f32 v54, v3;
	v56 =	vmul.f32 v6, v2;
	[tilespmem:$0x1770] =	vst v13;
	v1 =	vmul.f32 v1, v53;
	v61 =	vpop (erf)  }
0x60: {  	v5 =	vmul.f32 v43, v45;
	[tilespmem:$0x17B0] =	vst v0;
	v0 =	vmul.f32 v60, v61  }
0x61: {  	v62 =	vmul.f32 v57, v2;
	v3 =	vsub.f32 v58, v3;
	[tilespmem:$0x17A0] =	vst v1;
	v1 =	vmul.f32 v56, v59  }
0x62: {  	[tilespmem:$0x1780] =	vst v5;
	v63 =	vpop (erf)  }
0x63: {  	v2 =	vmul.f32 v3, v2;
	[tilespmem:$0x17C0] =	vst v1;
	v1 =	vmul.f32 v62, v63  }
0x64: {  	[tilespmem:$0x17D0] =	vst v0;
	v0 =	vpop (erf)  }
0x65: {  	[tilespmem:$0x17E0] =	vst v1;
	v2 =	vmul.f32 v2, v0  }
.LBB2_4:
0x66: {  	_ = 	snop  }
0x67: {  	s14 =	sadd.s32 $0xFFFFFFFF, s14;
	[tilespmem:$0x17F0] =	vst v2  }
0x68: {  	[hbm4b:s13+s2] =	stream.linear.scatter [tilespmem:s29], [sflag:$0x2], $0x200, $0x38;
	[tilespmem:$0x10F18] =	vst v63  }
0x69: {  	p3 =	sne.s32 s14, $0x0;
	_ =	swait.ge [sflag:s18], $0x200  }
.Ltmp1:
0x6a: {  	[sflag:s18] =	ssyncset.done $0x0;
	(pc) =	sbr.rel @!p3 .LBB2_5-.Ltmp1, $4  }
0x6b: {  	[sflag:s18] =	ssyncadd.s32 $0xFFFFFE00  }
0x6c: {  	_ =	swait.ge [sflag:s21], $0x7A10  }
0x6d: {  	[sflag:s21] =	ssyncset.done $0x0  }
0x6e: {  	[sflag:s21] =	ssyncadd.s32 $0xFFFF85F0  }
.LBB2_1:
0x6f: {  	[tilespmem:s15], [sflag:$0x1] =	stream.linear.gather [hbm4b:s4+s2], $0x7A10, $0x38;
	[tilespmem:$0x10F18] =	vst v63  }
0x70: {  	s0 =	simm.s32 $0x4000  }
0x71: {  	[tilespmem:s2], [sflag:$0x2] =	stream.strided.gather [hbm4b:s5+s16], $0xC00, s0, s16, $0x38;
	[tilespmem:$0x10F18] =	vst v63  }
0x72: {  	_ =	swait.ge [sflag:s18], $0xC00  }
0x73: {  	[sflag:s18] =	ssyncset.done $0x0  }
0x74: {  	[sflag:s18] =	ssyncadd.s32 $0xFFFFF400  }
0x75: {  	[tilespmem:s19], [sflag:$0x2] =	stream.linear.gather [hbm4b:s3+s2], $0x80, $0x38;
	[tilespmem:$0x10F18] =	vst v63  }
0x76: {  	_ =	swait.ge [sflag:s18], $0x80  }
0x77: {  	[sflag:s18] =	ssyncset.done $0x0  }
0x78: {  	[sflag:s18] =	ssyncadd.s32 $0xFFFFFF80  }
0x79: {  	[tilespmem:s20], [sflag:$0x2] =	stream.linear.gather [hbm4b:s6+s2], $0x200, $0x38;
	[tilespmem:$0x10F18] =	vst v63  }
0x7a: {  	_ =	swait.ge [sflag:s18], $0x200  }
0x7b: {  	[sflag:s18] =	ssyncset.done $0x0  }
0x7c: {  	[sflag:s18] =	ssyncadd.s32 $0xFFFFFE00  }
0x7d: {  	v0 =	vld [tilespmem:$0x1980]  }
0x7e: {  	v3 =	vld [tilespmem:$0x0]  }
0x7f: {  	v4 =	vld [tilespmem:$0x400]  }
0x80: {  	v5 =	vld [tilespmem:$0x800]  }
0x81: {  	v11 =	vld [tilespmem:$0x10]  }
0x82: {  	v6 =	vld [tilespmem:$0x410]  }
0x83: {  	v7 =	vld [tilespmem:$0x810]  }
0x84: {  	v27 =	vld [tilespmem:$0x20]  }
0x85: {  	v8 =	vld [tilespmem:$0x420]  }
0x86: {  	v9 =	vld [tilespmem:$0x820]  }
0x87: {  	v29 =	vld [tilespmem:$0x30]  }
0x88: {  	v24 =	vld [tilespmem:$0x430]  }
0x89: {  	v25 =	vld [tilespmem:$0x830]  }
0x8a: {  	v13 =	vld [tilespmem:$0x40]  }
0x8b: {  	v26 =	vld [tilespmem:$0x440]  }
0x8c: {  	v28 =	vld [tilespmem:$0x840]  }
0x8d: {  	v31 =	vld [tilespmem:$0x50]  }
0x8e: {  	v30 =	vld [tilespmem:$0x450]  }
0x8f: {  	v32 =	vld [tilespmem:$0x850]  }
0x90: {  	v16 =	vld [tilespmem:$0x60]  }
0x91: {  	v34 =	vld [tilespmem:$0x460]  }
0x92: {  	v35 =	vld [tilespmem:$0x860]  }
0x93: {  	v17 =	vld [tilespmem:$0x70]  }
0x94: {  	v36 =	vld [tilespmem:$0x470]  }
0x95: {  	v38 =	vld [tilespmem:$0x870]  }
0x96: {  	v19 =	vld [tilespmem:$0x80]  }
0x97: {  	v42 =	vld [tilespmem:$0x480]  }
0x98: {  	v50 =	vld [tilespmem:$0x880]  }
0x99: {  	v23 =	vld [tilespmem:$0x90]  }
0x9a: {  	v51 =	vld [tilespmem:$0x490]  }
0x9b: {  	v52 =	vld [tilespmem:$0x890]  }
0x9c: {  	v20 =	vld [tilespmem:$0xA0]  }
0x9d: {  	v53 =	vld [tilespmem:$0x4A0]  }
0x9e: {  	v54 =	vld [tilespmem:$0x8A0]  }
0x9f: {  	v22 =	vld [tilespmem:$0xB0]  }
0xa0: {  	v55 =	vld [tilespmem:$0x4B0]  }
0xa1: {  	v56 =	vld [tilespmem:$0x8B0]  }
0xa2: {  	v10 =	vld [tilespmem:$0xC0]  }
0xa3: {  	v57 =	vld [tilespmem:$0x4C0]  }
0xa4: {  	v58 =	vld [tilespmem:$0x8C0]  }
0xa5: {  	v18 =	vld [tilespmem:$0xD0]  }
0xa6: {  	v59 =	vld [tilespmem:$0x4D0]  }
0xa7: {  	v60 =	vld [tilespmem:$0x8D0]  }
0xa8: {  	v15 =	vld [tilespmem:$0xE0]  }
0xa9: {  	v61 =	vld [tilespmem:$0x4E0]  }
0xaa: {  	v62 =	vld [tilespmem:$0x8E0]  }
0xab: {  	v14 =	vld [tilespmem:$0xF0]  }
0xac: {  	v39 =	vld [tilespmem:$0x4F0]  }
0xad: {  	v40 =	vld [tilespmem:$0x8F0]  }
0xae: {  	v12 =	vld [tilespmem:$0x100]  }
0xaf: {  	v46 =	vld [tilespmem:$0x500]  }
0xb0: {  	v49 =	vld [tilespmem:$0x900]  }
0xb1: {  	v47 =	vld [tilespmem:$0x510]  }
0xb2: {  	v48 =	vld [tilespmem:$0x910]  }
0xb3: {  	v44 =	vld [tilespmem:$0x520]  }
0xb4: {  	v41 =	vld [tilespmem:$0x530];
	v4 =	vmul.f32 $8.999999760e-01, v4;
	v5 =	vmul.f32 $1.000000010e-01, v5  }
0xb5: {  	[tilespmem:$0x1FFE0] =	vst v0;
	v0 =	vld [tilespmem:$0x110]  }
0xb6: {  	v43 =	vld [tilespmem:$0x930];
	v5 =	vadd.f32 v5, v4;
	v4 =	vmul.f32 $8.999999760e-01, v6;
	v6 =	vmul.f32 $1.000000010e-01, v7  }
0xb7: {  	v45 =	vmul.f32 $1.000000010e-01, v9;
	v9 =	vld [tilespmem:$0x140]  }
0xb8: {  	v63 =	vadd.f32 v6, v4;
	v6 =	vld [tilespmem:$0x120]  }
0xb9: {  	v7 =	vadd.f32 $0.0e+00, v5;
	v4 =	vmul.f32 $8.999999760e-01, v8;
	v8 =	vld [tilespmem:$0x150]  }
0xba: {  	v25 =	vmul.f32 $1.000000010e-01, v25;
	[tilespmem:$0x1FFC0] =	vst v0;
	v0 =	vsub.s32 v3, v21;
	v3 =	vld [tilespmem:$0x170]  }
0xbb: {  	[tilespmem:$0xC00] =	vst v5;
	v5 =	vsub.s32 v11, v21;
	v7 =	vadd.f32 v63, v7;
	v1 =	vadd.f32 v45, v4;
	v45 =	vld [tilespmem:$0x920]  }
0xbc: {  	v4 =	vmul.f32 $8.999999760e-01, v24;
	v0 =	vmin.u32 v0, $0x7A120;
	[tilespmem:$0xC10] =	vst v63;
	v63 =	vsub.s32 v27, v21;
	v27 =	vld [tilespmem:$0x580]  }
0xbd: {  	[tilespmem:$0x1000] =	vst v0;
	v0 =	vmin.u32 v5, $0x7A120;
	v5 =	vld [tilespmem:$0x180]  }
0xbe: {  	v33 =	vadd.f32 v1, v7;
	v2 =	vadd.f32 v25, v4;
	v7 =	vld [tilespmem:$0x130];
	v4 =	vmul.f32 $8.999999760e-01, v26  }
0xbf: {  	v26 =	vmul.f32 $1.000000010e-01, v35;
	v35 =	vld [tilespmem:$0x950];
	[tilespmem:$0x1010] =	vst v0;
	v0 =	vmin.u32 v63, $0x7A120  }
0xc0: {  	v37 =	vmul.f32 $1.000000010e-01, v28;
	[tilespmem:$0x1020] =	vst v0;
	v0 =	vsub.s32 v29, v21;
	v29 =	vld [tilespmem:$0x590]  }
0xc1: {  	v56 =	vmul.f32 $1.000000010e-01, v56;
	[tilespmem:$0xC20] =	vst v1;
	v1 =	vmul.f32 $8.999999760e-01, v55;
	v28 =	vadd.f32 v2, v33;
	v33 =	vld [tilespmem:$0x540]  }
0xc2: {  	v8 =	vsub.s32 v8, v21;
	v25 =	vadd.f32 v37, v4;
	v37 =	vmul.f32 $1.000000010e-01, v32;
	v32 =	vld [tilespmem:$0x550]  }
0xc3: {  	v4 =	vmul.f32 $8.999999760e-01, v30;
	v0 =	vmin.u32 v0, $0x7A120;
	v55 =	vadd.f32 v56, v1;
	v1 =	vld [tilespmem:$0x990]  }
0xc4: {  	v8 =	vmin.u32 v8, $0x7A120;
	[tilespmem:$0x1030] =	vst v0;
	v0 =	vsub.s32 v13, v21;
	v13 =	vld [tilespmem:$0x1A0]  }
0xc5: {  	v50 =	vmul.f32 $1.000000010e-01, v50;
	[tilespmem:$0x1150] =	vst v8;
	v8 =	vld [tilespmem:$0x290];
	v24 =	vadd.f32 v25, v28;
	v28 =	vadd.f32 v37, v4  }
0xc6: {  	v37 =	vld [tilespmem:$0x940];
	v4 =	vmul.f32 $8.999999760e-01, v34;
	v34 =	vmul.f32 $1.000000010e-01, v38;
	v0 =	vmin.u32 v0, $0x7A120  }
0xc7: {  	v38 =	vmul.f32 $8.999999760e-01, v42;
	[tilespmem:$0x1040] =	vst v0;
	v0 =	vmul.f32 $8.999999760e-01, v59;
	v59 =	vsub.s32 v16, v21;
	v16 =	vld [tilespmem:$0x1B0]  }
0xc8: {  	v5 =	vsub.s32 v5, v21;
	v30 =	vadd.f32 v26, v4;
	v4 =	vld [tilespmem:$0x160]  }
0xc9: {  	[tilespmem:$0x1FFD0] =	vst v3;
	v5 =	vmin.u32 v5, $0x7A120;
	v3 =	vadd.f32 v50, v38;
	v50 =	vld [tilespmem:$0x570]  }
0xca: {  	v24 =	vadd.f32 v28, v24;
	v26 =	vmul.f32 $8.999999760e-01, v36;
	v38 =	vmul.f32 $8.999999760e-01, v51;
	v51 =	vld [tilespmem:$0x970]  }
0xcb: {  	v42 =	vmul.f32 $1.000000010e-01, v52;
	[tilespmem:$0x1180] =	vst v5;
	v5 =	vld [tilespmem:$0x280]  }
0xcc: {  	v36 =	vadd.f32 v30, v24;
	v34 =	vadd.f32 v34, v26;
	v24 =	vld [tilespmem:$0x560]  }
0xcd: {  	v26 =	vld [tilespmem:$0x960];
	v52 =	vadd.f32 v42, v38;
	v38 =	vmul.f32 $8.999999760e-01, v53;
	v42 =	vmul.f32 $1.000000010e-01, v54  }
0xce: {  	v53 =	vld [tilespmem:$0x980];
	v36 =	vadd.f32 v34, v36  }
0xcf: {  	v54 =	vadd.f32 v42, v38;
	v42 =	vsub.s32 v31, v21;
	v31 =	vld [tilespmem:$0x5A0]  }
0xd0: {  	v38 =	vld [tilespmem:$0x5B0];
	v11 =	vadd.f32 v3, v36  }
0xd1: {  	[tilespmem:$0xC40] =	vst v25;
	v25 =	vmin.u32 v42, $0x7A120;
	v42 =	vld [tilespmem:$0x9B0]  }
0xd2: {  	v36 =	vld [tilespmem:$0x9A0];
	v63 =	vadd.f32 v52, v11  }
0xd3: {  	[tilespmem:$0xC30] =	vst v2;
	v11 =	vld [tilespmem:$0x190]  }
0xd4: {  	[tilespmem:$0xC90] =	vst v52;
	v52 =	vsub.s32 v20, v21;
	v20 =	vld [tilespmem:$0x1E0];
	v2 =	vadd.f32 v54, v63;
	v63 =	vmul.f32 $1.000000010e-01, v58  }
0xd5: {  	v58 =	vmul.f32 $1.000000010e-01, v60;
	v60 =	vmin.u32 v59, $0x7A120;
	v59 =	vsub.s32 v22, v21;
	v22 =	vld [tilespmem:$0x5E0]  }
0xd6: {  	v57 =	vmul.f32 $8.999999760e-01, v57;
	[tilespmem:$0xCA0] =	vst v54;
	v54 =	vsub.s32 v14, v21;
	v14 =	vld [tilespmem:$0x210]  }
0xd7: {  	v61 =	vmul.f32 $8.999999760e-01, v61;
	v10 =	vsub.s32 v10, v21;
	[tilespmem:$0x1060] =	vst v60;
	v60 =	vmul.f32 $8.999999760e-01, v39;
	v39 =	vld [tilespmem:$0x5C0]  }
0xd8: {  	v10 =	vmin.u32 v10, $0x7A120;
	[tilespmem:$0xC50] =	vst v28;
	v28 =	vadd.f32 v58, v0;
	v0 =	vsub.s32 v17, v21;
	v17 =	vld [tilespmem:$0x1C0]  }
0xd9: {  	[tilespmem:$0x10C0] =	vst v10;
	v56 =	vadd.f32 v63, v57;
	v63 =	vmul.f32 $1.000000010e-01, v62;
	v62 =	vmul.f32 $8.999999760e-01, v46;
	v46 =	vld [tilespmem:$0x9D0]  }
0xda: {  	[tilespmem:$0xCB0] =	vst v55;
	v2 =	vadd.f32 v55, v2;
	v57 =	vmul.f32 $1.000000010e-01, v48;
	v55 =	vmul.f32 $8.999999760e-01, v32;
	v32 =	vld [tilespmem:$0x610]  }
0xdb: {  	[tilespmem:$0xC60] =	vst v30;
	v58 =	vmin.u32 v52, $0x7A120;
	v48 =	vmin.u32 v59, $0x7A120;
	v59 =	vmul.f32 $1.000000010e-01, v26;
	v26 =	vld [tilespmem:$0xA20]  }
0xdc: {  	[tilespmem:$0x10A0] =	vst v58;
	v58 =	vmul.f32 $8.999999760e-01, v24;
	v24 =	vld [tilespmem:$0x620]  }
0xdd: {  	[tilespmem:$0x1050] =	vst v25;
	v0 =	vmin.u32 v0, $0x7A120;
	v25 =	vadd.f32 v63, v61;
	v61 =	vmul.f32 $1.000000010e-01, v40;
	v40 =	vld [tilespmem:$0x9C0]  }
0xde: {  	[tilespmem:$0x1070] =	vst v0;
	v0 =	vsub.s32 v19, v21;
	v19 =	vld [tilespmem:$0x1D0]  }
0xdf: {  	v63 =	vmul.f32 $1.000000010e-01, v49;
	v49 =	vmul.f32 $8.999999760e-01, v33;
	v33 =	vld [tilespmem:$0xA10];
	v0 =	vmin.u32 v0, $0x7A120  }
0xe0: {  	[tilespmem:$0x1080] =	vst v0;
	v0 =	vsub.s32 v23, v21;
	v23 =	vld [tilespmem:$0x5D0]  }
0xe1: {  	[tilespmem:$0xC80] =	vst v3;
	v3 =	vadd.f32 v61, v60;
	v60 =	vmul.f32 $8.999999760e-01, v44;
	v44 =	vld [tilespmem:$0x5F0]  }
0xe2: {  	[tilespmem:$0xC70] =	vst v34;
	v61 =	vmul.f32 $1.000000010e-01, v43;
	v43 =	vld [tilespmem:$0x9F0]  }
0xe3: {  	[tilespmem:$0x10B0] =	vst v48;
	v2 =	vadd.f32 v56, v2;
	v30 =	vadd.f32 v63, v62;
	v62 =	vsub.s32 v18, v21;
	v18 =	vld [tilespmem:$0x200]  }
0xe4: {  	v52 =	vmul.f32 $1.000000010e-01, v37;
	[tilespmem:$0xCC0] =	vst v56;
	v63 =	vsub.s32 v15, v21;
	v15 =	vld [tilespmem:$0xA00]  }
0xe5: {  	v41 =	vmul.f32 $8.999999760e-01, v41;
	[tilespmem:$0xCD0] =	vst v28;
	v56 =	vmul.f32 $1.000000010e-01, v35;
	v2 =	vadd.f32 v28, v2;
	v28 =	vld [tilespmem:$0xA30]  }
0xe6: {  	[tilespmem:$0xCE0] =	vst v25;
	v37 =	vadd.f32 v52, v49;
	v49 =	vsub.s32 v9, v21;
	v9 =	vld [tilespmem:$0x640];
	v0 =	vmin.u32 v0, $0x7A120  }
0xe7: {  	v35 =	vadd.f32 v56, v55;
	v56 =	vmul.f32 $8.999999760e-01, v39;
	v39 =	vld [tilespmem:$0x670];
	v10 =	vmin.u32 v62, $0x7A120;
	[tilespmem:$0x1090] =	vst v0  }
0xe8: {  	v62 =	vmul.f32 $1.000000010e-01, v51;
	v51 =	vmul.f32 $1.000000010e-01, v36;
	v36 =	vld [tilespmem:$0xA50];
	[tilespmem:$0x10D0] =	vst v10  }
0xe9: {  	v45 =	vmul.f32 $1.000000010e-01, v45;
	v0 =	vmul.f32 $8.999999760e-01, v47;
	v47 =	vld [tilespmem:$0x9E0];
	[tilespmem:$0xCF0] =	vst v3  }
0xea: {  	v48 =	vadd.f32 v61, v41;
	v41 =	vld [tilespmem:$0x600];
	[tilespmem:$0xD00] =	vst v30  }
0xeb: {  	v2 =	vadd.f32 v25, v2;
	v45 =	vadd.f32 v45, v60;
	v10 =	vmin.u32 v63, $0x7A120;
	v25 =	vld [tilespmem:$0x630];
	[tilespmem:$0xD40] =	vst v37  }
0xec: {  	v60 =	vadd.f32 v59, v58;
	v63 =	vmul.f32 $1.000000010e-01, v53;
	[tilespmem:$0xD50] =	vst v35;
	v53 =	vmul.f32 $8.999999760e-01, v38;
	v38 =	vld [tilespmem:$0xA60]  }
0xed: {  	v61 =	vmul.f32 $8.999999760e-01, v50;
	v50 =	vmin.u32 v49, $0x7A120;
	v59 =	vsub.s32 v13, v21;
	v13 =	vld [tilespmem:$0x680];
	[tilespmem:$0x10E0] =	vst v10  }
0xee: {  	v58 =	vmul.f32 $1.000000010e-01, v46;
	v46 =	vld [tilespmem:$0xAA0];
	[tilespmem:$0x1140] =	vst v50;
	v2 =	vadd.f32 v3, v2  }
0xef: {  	v12 =	vsub.s32 v12, v21;
	v31 =	vmul.f32 $8.999999760e-01, v31;
	v50 =	vld [tilespmem:$0x6B0];
	[tilespmem:$0xD20] =	vst v45  }
0xf0: {  	v49 =	vmul.f32 $1.000000010e-01, v33;
	v33 =	vld [tilespmem:$0x2F0];
	v34 =	vadd.f32 v57, v0;
	[tilespmem:$0xD30] =	vst v48;
	v2 =	vadd.f32 v30, v2  }
0xf1: {  	v52 =	vadd.f32 v51, v31;
	v3 =	vmin.u32 v54, $0x7A120;
	v57 =	vld [tilespmem:$0x1FFC0];
	[tilespmem:$0xD60] =	vst v60;
	v54 =	vmul.f32 $1.000000010e-01, v42  }
0xf2: {  	v1 =	vmul.f32 $1.000000010e-01, v1;
	v22 =	vmul.f32 $8.999999760e-01, v22;
	v0 =	vld [tilespmem:$0x1F0];
	[tilespmem:$0x10F0] =	vst v3;
	v2 =	vadd.f32 v34, v2  }
0xf3: {  	v3 =	vmin.u32 v12, $0x7A120;
	v12 =	vld [tilespmem:$0x220];
	[tilespmem:$0xDA0] =	vst v52;
	v18 =	vsub.s32 v18, v21;
	v30 =	vadd.f32 v54, v53  }
0xf4: {  	[tilespmem:$0x1100] =	vst v3;
	v53 =	vmul.f32 $1.000000010e-01, v26;
	v26 =	vld [tilespmem:$0x6C0];
	v54 =	vmul.f32 $8.999999760e-01, v25;
	v2 =	vadd.f32 v45, v2  }
0xf5: {  	[tilespmem:$0xD10] =	vst v34;
	v25 =	vld [tilespmem:$0x2D0];
	v34 =	vadd.f32 v62, v61;
	v61 =	vmul.f32 $1.000000010e-01, v47;
	v62 =	vmul.f32 $8.999999760e-01, v44  }
0xf6: {  	[tilespmem:$0xDB0] =	vst v30;
	v44 =	vld [tilespmem:$0xA90];
	v47 =	vsub.s32 v20, v21;
	v10 =	vsub.s32 v57, v21;
	v2 =	vadd.f32 v48, v2  }
0xf7: {  	v20 =	vld [tilespmem:$0x2B0];
	v57 =	vmul.f32 $1.000000010e-01, v40;
	v0 =	vsub.s32 v0, v21;
	v3 =	vmin.u32 v10, $0x7A120;
	[tilespmem:$0xD70] =	vst v34  }
0xf8: {  	v10 =	vld [tilespmem:$0x230];
	v0 =	vmin.u32 v0, $0x7A120;
	[tilespmem:$0x1110] =	vst v3;
	v3 =	vsub.s32 v6, v21;
	v2 =	vadd.f32 v37, v2  }
0xf9: {  	v22 =	vadd.f32 v61, v22;
	v45 =	vmul.f32 $8.999999760e-01, v41;
	v41 =	vld [tilespmem:$0x700];
	[tilespmem:$0x11F0] =	vst v0;
	v3 =	vmin.u32 v3, $0x7A120  }
0xfa: {  	v6 =	vld [tilespmem:$0x240];
	v0 =	vmin.u32 v18, $0x7A120;
	[tilespmem:$0x1120] =	vst v3;
	v3 =	vsub.s32 v7, v21;
	v2 =	vadd.f32 v35, v2  }
0xfb: {  	v31 =	vadd.f32 v57, v56;
	v18 =	vld [tilespmem:$0xAC0];
	[tilespmem:$0x1200] =	vst v0;
	v7 =	vmul.f32 $8.999999760e-01, v27;
	v3 =	vmin.u32 v3, $0x7A120  }
0xfc: {  	v56 =	vld [tilespmem:$0x6D0];
	v0 =	vsub.s32 v14, v21;
	[tilespmem:$0x1130] =	vst v3;
	v3 =	vmul.f32 $8.999999760e-01, v29;
	v2 =	vadd.f32 v60, v2  }
0xfd: {  	v48 =	vmul.f32 $8.999999760e-01, v32;
	[tilespmem:$0xDE0] =	vst v22;
	v32 =	vld [tilespmem:$0x370];
	v0 =	vmin.u32 v0, $0x7A120;
	v27 =	vadd.f32 v63, v7  }
0xfe: {  	[tilespmem:$0xDC0] =	vst v31;
	v37 =	vld [tilespmem:$0x650];
	v1 =	vadd.f32 v1, v3;
	v3 =	vsub.s32 v4, v21;
	v2 =	vadd.f32 v34, v2  }
0xff: {  	v51 =	vadd.f32 v49, v48;
	[tilespmem:$0x1210] =	vst v0;
	v49 =	vld [tilespmem:$0xB20];
	v3 =	vmin.u32 v3, $0x7A120  }
0x100: {  	v23 =	vmul.f32 $8.999999760e-01, v23;
	v0 =	vsub.s32 v12, v21;
	[tilespmem:$0x1160] =	vst v3;
	v3 =	vld [tilespmem:$0x1FFD0];
	v2 =	vadd.f32 v27, v2  }
0x101: {  	v16 =	vsub.s32 v16, v21;
	v15 =	vmul.f32 $1.000000010e-01, v15;
	v29 =	vld [tilespmem:$0xA40];
	v0 =	vmin.u32 v0, $0x7A120;
	[tilespmem:$0xE10] =	vst v51  }
0x102: {  	v9 =	vmul.f32 $8.999999760e-01, v9;
	[tilespmem:$0x1220] =	vst v0;
	v60 =	vadd.f32 v58, v23;
	v23 =	vld [tilespmem:$0xA80];
	v2 =	vadd.f32 v1, v2  }
0x103: {  	v11 =	vsub.s32 v11, v21;
	v46 =	vmul.f32 $1.000000010e-01, v46;
	v7 =	vld [tilespmem:$0x250];
	v63 =	vmul.f32 $1.000000010e-01, v43;
	[tilespmem:$0xD80] =	vst v27  }
0x104: {  	v43 =	vmul.f32 $1.000000010e-01, v44;
	v44 =	vld [tilespmem:$0xB10];
	v14 =	vmul.f32 $8.999999760e-01, v56;
	[tilespmem:$0xD90] =	vst v1;
	v2 =	vadd.f32 v52, v2  }
0x105: {  	v35 =	vld [tilespmem:$0x660];
	v61 =	vmul.f32 $8.999999760e-01, v37;
	[tilespmem:$0xDD0] =	vst v60;
	v3 =	vsub.s32 v3, v21;
	v1 =	vmin.u32 v11, $0x7A120  }
0x106: {  	v56 =	vld [tilespmem:$0x740];
	v37 =	vmul.f32 $1.000000010e-01, v38;
	v55 =	vmin.u32 v3, $0x7A120;
	[tilespmem:$0x1190] =	vst v1;
	v2 =	vadd.f32 v30, v2  }
0x107: {  	v34 =	vmul.f32 $1.000000010e-01, v49;
	v42 =	vmul.f32 $1.000000010e-01, v23;
	v3 =	vld [tilespmem:$0x270];
	v1 =	vmin.u32 v59, $0x7A120;
	[tilespmem:$0x1170] =	vst v55  }
0x108: {  	v58 =	vld [tilespmem:$0xAD0];
	v59 =	vmul.f32 $1.000000010e-01, v29;
	[tilespmem:$0x11A0] =	vst v1;
	v1 =	vmin.u32 v16, $0x7A120;
	v2 =	vadd.f32 v31, v2  }
0x109: {  	v11 =	vmin.u32 v47, $0x7A120;
	v16 =	vld [tilespmem:$0x690];
	v55 =	vmul.f32 $1.000000010e-01, v28;
	[tilespmem:$0x11B0] =	vst v1;
	v1 =	vsub.s32 v17, v21  }
0x10a: {  	[tilespmem:$0x11E0] =	vst v11;
	v0 =	vadd.f32 v59, v9;
	v1 =	vmin.u32 v1, $0x7A120;
	v31 =	vld [tilespmem:$0x6A0];
	v2 =	vadd.f32 v60, v2  }
0x10b: {  	v4 =	vld [tilespmem:$0x260];
	v30 =	vadd.f32 v63, v62;
	v57 =	vadd.f32 v55, v54;
	[tilespmem:$0x11C0] =	vst v1;
	v1 =	vsub.s32 v19, v21  }
0x10c: {  	v38 =	vld [tilespmem:$0xAF0];
	[tilespmem:$0xE40] =	vst v0;
	v1 =	vmin.u32 v1, $0x7A120;
	v3 =	vsub.s32 v3, v21;
	v2 =	vadd.f32 v22, v2  }
0x10d: {  	v49 =	vld [tilespmem:$0x3C0];
	v55 =	vmul.f32 $1.000000010e-01, v58;
	[tilespmem:$0x11D0] =	vst v1;
	v1 =	vadd.f32 v15, v45;
	v3 =	vmin.u32 v3, $0x7A120  }
0x10e: {  	v27 =	vld [tilespmem:$0xA70];
	[tilespmem:$0x1270] =	vst v3;
	v3 =	vsub.s32 v5, v21;
	v5 =	vmul.f32 $8.999999760e-01, v16;
	v2 =	vadd.f32 v30, v2  }
0x10f: {  	v23 =	vld [tilespmem:$0xB00];
	v52 =	vmul.f32 $8.999999760e-01, v24;
	[tilespmem:$0xDF0] =	vst v30;
	v14 =	vadd.f32 v55, v14;
	v45 =	vmul.f32 $8.999999760e-01, v31  }
0x110: {  	v62 =	vmul.f32 $1.000000010e-01, v36;
	v36 =	vld [tilespmem:$0x6F0];
	[tilespmem:$0xE30] =	vst v57;
	v5 =	vadd.f32 v43, v5;
	v2 =	vadd.f32 v1, v2  }
0x111: {  	v18 =	vmul.f32 $1.000000010e-01, v18;
	v60 =	vld [tilespmem:$0x6E0];
	[tilespmem:$0xE00] =	vst v1;
	v12 =	vadd.f32 v46, v45;
	v1 =	vadd.f32 v53, v52  }
0x112: {  	v63 =	vld [tilespmem:$0xAE0];
	[tilespmem:$0xED0] =	vst v14;
	v53 =	vsub.s32 v20, v21;
	v20 =	vmul.f32 $8.999999760e-01, v26;
	v2 =	vadd.f32 v51, v2  }
0x113: {  	v47 =	vld [tilespmem:$0x720];
	[tilespmem:$0xE90] =	vst v5  }
0x114: {  	v6 =	vsub.s32 v6, v21;
	v29 =	vld [tilespmem:$0xB60];
	[tilespmem:$0xEA0] =	vst v12;
	v54 =	vadd.f32 v18, v20;
	v2 =	vadd.f32 v1, v2  }
0x115: {  	v24 =	vld [tilespmem:$0x2E0];
	v28 =	vmul.f32 $1.000000010e-01, v44;
	v9 =	vmul.f32 $8.999999760e-01, v36;
	[tilespmem:$0xE20] =	vst v1;
	v1 =	vsub.s32 v10, v21  }
0x116: {  	v44 =	vld [tilespmem:$0xBA0];
	v10 =	vmul.f32 $8.999999760e-01, v60;
	[tilespmem:$0xEC0] =	vst v54;
	v1 =	vmin.u32 v1, $0x7A120;
	v2 =	vadd.f32 v57, v2  }
0x117: {  	v17 =	vld [tilespmem:$0x2A0];
	[tilespmem:$0x1230] =	vst v1;
	v1 =	vmin.u32 v6, $0x7A120;
	v6 =	vadd.f32 v62, v61;
	v57 =	vmul.f32 $1.000000010e-01, v63  }
0x118: {  	v59 =	vld [tilespmem:$0x350];
	v62 =	vmul.f32 $1.000000010e-01, v38;
	[tilespmem:$0x1240] =	vst v1;
	v2 =	vadd.f32 v0, v2;
	v0 =	vsub.s32 v7, v21  }
0x119: {  	v20 =	vld [tilespmem:$0xB40];
	v7 =	vmul.f32 $8.999999760e-01, v35;
	[tilespmem:$0xE50] =	vst v6;
	v10 =	vadd.f32 v57, v10;
	v0 =	vmin.u32 v0, $0x7A120  }
0x11a: {  	v9 =	vadd.f32 v62, v9;
	v62 =	vld [tilespmem:$0x1FFF0];
	[tilespmem:$0x1250] =	vst v0  }
0x11b: {  	v55 =	vld [tilespmem:$0xBE0];
	v1 =	vadd.f32 v6, v2;
	v6 =	vadd.f32 v37, v7;
	[tilespmem:$0xEE0] =	vst v10  }
0x11c: {  	v15 =	vld [tilespmem:$0x2C0];
	v7 =	vmul.f32 $8.999999760e-01, v39;
	v39 =	vmul.f32 $1.000000010e-01, v27;
	v0 =	vsub.s32 v4, v21;
	[tilespmem:$0xEF0] =	vst v9  }
0x11d: {  	v22 =	vld [tilespmem:$0xAB0];
	v4 =	vmul.f32 $8.999999760e-01, v13;
	v0 =	vmin.u32 v0, $0x7A120;
	[tilespmem:$0xE60] =	vst v6  }
0x11e: {  	v43 =	vld [tilespmem:$0x7A0];
	v40 =	vmul.f32 $1.000000010e-01, v20;
	[tilespmem:$0x1260] =	vst v0;
	v0 =	vadd.f32 v39, v7  }
0x11f: {  	v45 =	vld [tilespmem:$0x1FFE0];
	v1 =	vadd.f32 v6, v1;
	v4 =	vadd.f32 v42, v4;
	v39 =	vmul.f32 $8.999999760e-01, v56;
	[tilespmem:$0x1880] =	vst v62  }
0x120: {  	v52 =	vld [tilespmem:$0x730];
	v26 =	vmul.f32 $8.999999760e-01, v41;
	[tilespmem:$0xE70] =	vst v0  }
0x121: {  	v41 =	vld [tilespmem:$0x790];
	v0 =	vadd.f32 v0, v1;
	v1 =	vmin.u32 v3, $0x7A120;
	[tilespmem:$0xE80] =	vst v4;
	v42 =	vadd.f32 v40, v39  }
0x122: {  	v48 =	vmul.f32 $8.999999760e-01, v50;
	v22 =	vmul.f32 $1.000000010e-01, v22;
	v60 =	vld [tilespmem:$0x750];
	[tilespmem:$0x1280] =	vst v1;
	v1 =	vsub.s32 v8, v21  }
0x123: {  	v50 =	vsub.s32 v17, v21;
	v63 =	vld [tilespmem:$0xB50];
	v1 =	vmin.u32 v1, $0x7A120;
	[tilespmem:$0xF40] =	vst v42  }
0x124: {  	v0 =	vadd.f32 v4, v0;
	v4 =	vadd.f32 v22, v48;
	v22 =	vld [tilespmem:$0xB30];
	[tilespmem:$0x1290] =	vst v1;
	v1 =	vmin.u32 v50, $0x7A120  }
0x125: {  	v51 =	vld [tilespmem:$0x330];
	v27 =	vmul.f32 $1.000000010e-01, v23;
	[tilespmem:$0x12A0] =	vst v1;
	v1 =	vmin.u32 v53, $0x7A120  }
0x126: {  	v58 =	vsub.s32 v25, v21;
	v7 =	vld [tilespmem:$0x710];
	v0 =	vadd.f32 v5, v0;
	[tilespmem:$0x12B0] =	vst v1;
	v1 =	vsub.s32 v15, v21  }
0x127: {  	v61 =	vsub.s32 v24, v21;
	v38 =	vld [tilespmem:$0x390];
	[tilespmem:$0xEB0] =	vst v4;
	v15 =	vadd.f32 v27, v26;
	v1 =	vmin.u32 v1, $0x7A120  }
0x128: {  	v2 =	vld [tilespmem:$0x300];
	v20 =	vmul.f32 $1.000000010e-01, v63;
	v0 =	vadd.f32 v12, v0;
	v12 =	vmul.f32 $8.999999760e-01, v60;
	[tilespmem:$0x12C0] =	vst v1  }
0x129: {  	v8 =	vmul.f32 $8.999999760e-01, v52;
	v1 =	vmin.u32 v58, $0x7A120;
	[tilespmem:$0xF00] =	vst v15;
	v36 =	vmul.f32 $1.000000010e-01, v22  }
0x12a: {  	v6 =	vld [tilespmem:$0x310];
	v0 =	vadd.f32 v4, v0;
	[tilespmem:$0x12D0] =	vst v1;
	v1 =	vmin.u32 v61, $0x7A120;
	v12 =	vadd.f32 v20, v12  }
0x12b: {  	v7 =	vmul.f32 $8.999999760e-01, v7;
	v22 =	vld [tilespmem:$0xB90];
	[tilespmem:$0x12E0] =	vst v1;
	v1 =	vsub.s32 v33, v21  }
0x12c: {  	v3 =	vld [tilespmem:$0x320];
	v8 =	vadd.f32 v36, v8;
	v1 =	vmin.u32 v1, $0x7A120;
	v0 =	vadd.f32 v54, v0;
	[tilespmem:$0xF50] =	vst v12  }
0x12d: {  	v17 =	vmul.f32 $1.000000010e-01, v44;
	v35 =	vld [tilespmem:$0xB70];
	v2 =	vsub.s32 v2, v21;
	v33 =	vmul.f32 $8.999999760e-01, v47;
	[tilespmem:$0x12F0] =	vst v1  }
0x12e: {  	v23 =	vld [tilespmem:$0x760];
	v1 =	vmin.u32 v2, $0x7A120;
	v2 =	vadd.f32 v28, v7;
	[tilespmem:$0xF30] =	vst v8;
	v0 =	vadd.f32 v14, v0  }
0x12f: {  	v19 =	vmul.f32 $8.999999760e-01, v41;
	v37 =	vld [tilespmem:$0x780];
	v6 =	vsub.s32 v6, v21;
	v11 =	vadd.f32 v34, v33;
	[tilespmem:$0x1300] =	vst v1  }
0x130: {  	v5 =	vld [tilespmem:$0x340];
	v1 =	vmin.u32 v6, $0x7A120;
	v22 =	vmul.f32 $1.000000010e-01, v22;
	[tilespmem:$0xF10] =	vst v2;
	v0 =	vadd.f32 v10, v0  }
0x131: {  	v4 =	vld [tilespmem:$0x360];
	v20 =	vnsel vm0, $0x0, v45;
	v14 =	vmul.f32 $8.999999760e-01, v43;
	[tilespmem:$0x1310] =	vst v1;
	v1 =	vsub.s32 v3, v21  }
0x132: {  	v56 =	vld [tilespmem:$0x7F0];
	[tilespmem:$0xF20] =	vst v11;
	v1 =	vmin.u32 v1, $0x7A120;
	v57 =	vadd.f32 v22, v19;
	v0 =	vadd.f32 v9, v0  }
0x133: {  	(xrf2) =	vadd.scan.msk.f32 $0xffff, v20;
	v6 =	vld [tilespmem:$0x380];
	[tilespmem:$0x1320] =	vst v1;
	v1 =	vsub.s32 v51, v21  }
0x134: {  	v50 =	vld [tilespmem:$0x3D0];
	v14 =	vadd.f32 v17, v14;
	v1 =	vmin.u32 v1, $0x7A120;
	[tilespmem:$0xF90] =	vst v57;
	v0 =	vadd.f32 v15, v0  }
0x135: {  	v51 =	vld [tilespmem:$0x3E0];
	[tilespmem:$0x1330] =	vst v1;
	v1 =	vsub.s32 v5, v21  }
0x136: {  	v53 =	vld [tilespmem:$0x7D0];
	[tilespmem:$0xFA0] =	vst v14;
	v1 =	vmin.u32 v1, $0x7A120;
	v0 =	vadd.f32 v2, v0;
	v2 =	vsub.s32 v4, v21  }
0x137: {  	v48 =	vsub.s32 v32, v21;
	v5 =	vld [tilespmem:$0x3A0];
	[tilespmem:$0x1340] =	vst v1;
	v2 =	vmin.u32 v2, $0x7A120  }
0x138: {  	v20 =	vld [tilespmem:$0x3B0];
	v6 =	vsub.s32 v6, v21;
	[tilespmem:$0x1360] =	vst v2;
	v2 =	vmin.u32 v48, $0x7A120  }
0x139: {  	v46 =	vsub.s32 v59, v21;
	v7 =	vld [tilespmem:$0x770];
	[tilespmem:$0x1370] =	vst v2;
	v2 =	vmin.u32 v6, $0x7A120;
	v6 =	vsub.s32 v38, v21  }
0x13a: {  	v15 =	vmin.u32 v46, $0x7A120;
	v10 =	vsub.s32 v51, v21;
	[tilespmem:$0x1380] =	vst v2;
	v2 =	vmin.u32 v6, $0x7A120;
	v6 =	vld [tilespmem:$0x3F0]  }
0x13b: {  	v18 =	vsub.s32 v49, v21;
	v13 =	vmul.f32 $1.000000010e-01, v29;
	v3 =	vld [tilespmem:$0xB80];
	[tilespmem:$0x1350] =	vst v15;
	v10 =	vmin.u32 v10, $0x7A120  }
0x13c: {  	v52 =	vmul.f32 $1.000000010e-01, v35;
	v16 =	vmul.f32 $8.999999760e-01, v37;
	v47 =	vld [tilespmem:$0x7B0];
	v5 =	vsub.s32 v5, v21;
	[tilespmem:$0x13E0] =	vst v10  }
0x13d: {  	v54 =	vld [tilespmem:$0x7E0];
	v1 =	vmul.f32 $8.999999760e-01, v23;
	v23, _, _ =	vpop (xrf2);
	[tilespmem:$0x1390] =	vst v2;
	v2 =	vmin.u32 v5, $0x7A120;
	v5 =	vsub.s32 v20, v21  }
0x13e: {  	v61 =	vmul.f32 $8.999999760e-01, v56;
	v4 =	vld [tilespmem:$0xBB0];
	(v2sf) =	vpush v23, $0xF;
	[tilespmem:$0x13A0] =	vst v2;
	v2 =	vmin.u32 v5, $0x7A120  }
0x13f: {  	v7 =	vmul.f32 $8.999999760e-01, v7;
	v20 =	vld [tilespmem:$0x7C0];
	[tilespmem:$0x13B0] =	vst v2;
	v2 =	vmin.u32 v18, $0x7A120;
	v6 =	vsub.s32 v6, v21  }
0x140: {  	v58 =	vsel vm1, $0x0, v45;
	v3 =	vmul.f32 $1.000000010e-01, v3;
	v5 =	vld [tilespmem:$0xBC0];
	[tilespmem:$0x13C0] =	vst v2;
	v6 =	vmin.u32 v6, $0x7A120  }
0x141: {  	v0 =	vadd.f32 v11, v0;
	v11 =	vsub.s32 v50, v21;
	v2 =	vld [tilespmem:$0xBD0];
	[tilespmem:$0x13F0] =	vst v6;
	v6 =	vimm.f32 @!p0 $0.0e+00  }
0x142: {  	v7 =	vadd.f32 v52, v7;
	(xrf2) =	vadd.scan.msk.f32 $0xffff, v58;
	v11 =	vmin.u32 v11, $0x7A120;
	[tilespmem:$0x1900] =	vst @!p0 v6;
	v6 =	vld [tilespmem:$0xBF0]  }
0x143: {  	v3 =	vadd.f32 v3, v16;
	v10 =	vmul.f32 $1.000000010e-01, v55;
	[tilespmem:$0x13D0] =	vst v11;
	v11 =	vmul.f32 $8.999999760e-01, v54  }
0x144: {  	[tilespmem:$0xF70] =	vst v7;
	v1 =	vadd.f32 v13, v1;
	v13 =	vmul.f32 $8.999999760e-01, v47;
	v4 =	vmul.f32 $1.000000010e-01, v4  }
0x145: {  	[tilespmem:$0xF80] =	vst v3;
	v10 =	vadd.f32 v10, v11;
	v59 =	vmul.f32 $8.999999760e-01, v20;
	v5 =	vmul.f32 $1.000000010e-01, v5  }
0x146: {  	v60 =	vmul.f32 $8.999999760e-01, v53;
	[tilespmem:$0xF60] =	vst v1;
	v4 =	vadd.f32 v4, v13;
	v2 =	vmul.f32 $1.000000010e-01, v2  }
0x147: {  	v0 =	vadd.f32 v8, v0;
	[tilespmem:$0xFE0] =	vst v10;
	v5 =	vadd.f32 v5, v59;
	v6 =	vmul.f32 $1.000000010e-01, v6  }
0x148: {  	[tilespmem:$0xFB0] =	vst v4;
	v2 =	vadd.f32 v2, v60  }
0x149: {  	v0 =	vadd.f32 v42, v0;
	[tilespmem:$0xFC0] =	vst v5;
	v6 =	vadd.f32 v6, v61  }
0x14a: {  	[tilespmem:$0xFD0] =	vst v2  }
0x14b: {  	s30 =	simm.s32 @!p0 $0x1900;
	v0 =	vadd.f32 v12, v0;
	[tilespmem:$0xFF0] =	vst v6  }
0x14c: {  	[spmem:s7] =	stream.linear.scatter @!p0 [tilespmem:s30], [sflag:$0x2], $0x10, $0x38;
	[tilespmem:$0x10F18] =	vst v63  }
0x14d: {  	s31 =	simm.s32 @!p0 $0x2;
	v63, _, _ =	vpop (xrf2);
	v0 =	vadd.f32 v1, v0;
	s30 =	spop (v2sf)  }
0x14e: {  	_ =	swait.ge @!p0 [sflag:s31], $0x10  }
0x14f: {  	v0 =	vadd.f32 v7, v0;
	[sflag:s31] =	ssyncset.done @!p0 $0x0  }
0x150: {  	[sflag:s31] =	ssyncadd.s32 @!p0 $0xFFFFFFF0  }
0x151: {  	v0 =	vadd.f32 v3, v0;
	_ =	swait.ge [sflag:s21], $0x7A10  }
0x152: {  	[sflag:s21] =	ssyncset.done $0x0  }
0x153: {  	v0 =	vadd.f32 v57, v0;
	[sflag:s21] =	ssyncadd.s32 $0xFFFF85F0  }
0x154: {  	[spmem:s8] =	stream.linear.scatter [tilespmem:s15], [sflag:$0x2], $0x7A10, $0x38;
	[tilespmem:$0x10F18] =	vst v63  }
0x155: {  	v0 =	vadd.f32 v14, v0;
	_ =	swait.ge [sflag:s18], $0x7A10  }
0x156: {  	s17 =	simm.s32 @!p2 $0x2;
	[sflag:s18] =	ssyncset.done $0x0  }
0x157: {  	s0 =	simm.s32 @!p2 $0x9480;
	v0 =	vadd.f32 v4, v0;
	s31 =	simm.s32 @!p2 $0x0;
	[sflag:s18] =	ssyncadd.s32 $0xFFFF85F0  }
0x158: {  	[tilespmem:s0], [sflag:$0x2] =	stream.linear.gather @!p2 [hbm4b:s9+s31], $0x20, $0x38;
	[tilespmem:$0x10F18] =	vst v63  }
0x159: {  	v0 =	vadd.f32 v5, v0;
	_ =	swait.ge @!p2 [sflag:s17], $0x20  }
0x15a: {  	[sflag:s17] =	ssyncset.done @!p2 $0x0  }
0x15b: {  	v0 =	vadd.f32 v2, v0;
	[sflag:s17] =	ssyncadd.s32 @!p2 $0xFFFFFFE0  }
0x15c: {  	[spmem:s10] =	stream.linear.scatter @!p2 [tilespmem:s0], [sflag:$0x2], $0x20, $0x38;
	[tilespmem:$0x10F18] =	vst v63  }
0x15d: {  	v0 =	vadd.f32 v10, v0;
	_ =	swait.ge @!p2 [sflag:s17], $0x20  }
0x15e: {  	[sflag:s17] =	ssyncset.done @!p2 $0x0  }
0x15f: {  	v0 =	vadd.f32 v6, v0;
	[sflag:s17] =	ssyncadd.s32 @!p2 $0xFFFFFFE0  }
0x160: {  	[bflag:$0x0] =	sbarrier.arrive $0xFFFF  }
0x161: {  	[tilespmem:$0x1800] =	vst v0  }
0x162: {  	[spmem:s1] =	stream.indirect.scatter.add.f32 [tilespmem:s24], [sflag:$0x2], $0x1, s23, s22, $0xb8;
	[tilespmem:$0x10F18] =	vst v63  }
0x163: {  	_ =	swait.ge [sflag:s18], $0x10  }
0x164: {  	[sflag:s18] =	ssyncset.done $0x0  }
0x165: {  	[sflag:s18] =	ssyncadd.s32 $0xFFFFFFF0  }
0x166: {  	[spmem:s1] =	stream.indirect.scatter [tilespmem:s26], [sflag:$0x2], $0x1, s25, s16, $0xb8;
	[tilespmem:$0x10F18] =	vst v63  }
0x167: {  	_ =	swait.ge [sflag:s18], $0x400  }
0x168: {  	[sflag:s18] =	ssyncset.done $0x0  }
0x169: {  	[sflag:s18] =	ssyncadd.s32 $0xFFFFFC00  }
0x16a: {  	[bflag:$0x0] =	sbarrier.arrive $0xFFFF  }
0x16b: {  	[tilespmem:s15], [sflag:$0x2] =	stream.linear.gather [spmem:s8], $0x7A10, $0x38;
	[tilespmem:$0x10F18] =	vst v63  }
0x16c: {  	_ =	swait.ge [sflag:s18], $0x7A10  }
0x16d: {  	[sflag:s18] =	ssyncset.done $0x0  }
0x16e: {  	[sflag:s18] =	ssyncadd.s32 $0xFFFF85F0  }
0x16f: {  	[hbm4b:s11+s2] =	stream.linear.scatter [tilespmem:s15], [sflag:$0x1], $0x7A10, $0x38;
	[tilespmem:$0x10F18] =	vst v63  }
0x170: {  	_ = 	snop  }
0x171: {  	[tilespmem:s0], [sflag:$0x2] =	stream.linear.gather @!p2 [spmem:s10], $0x20, $0x38;
	[tilespmem:$0x10F18] =	vst v63  }
0x172: {  	_ =	swait.ge @!p2 [sflag:s17], $0x20  }
0x173: {  	[sflag:s17] =	ssyncset.done @!p2 $0x0  }
0x174: {  	[sflag:s17] =	ssyncadd.s32 @!p2 $0xFFFFFFE0  }
0x175: {  	[hbm4b:s12+s31] =	stream.linear.scatter @!p2 [tilespmem:s0], [sflag:$0x2], $0x20, $0x38;
	[tilespmem:$0x10F18] =	vst v63  }
0x176: {  	_ =	swait.ge @!p2 [sflag:s17], $0x20  }
0x177: {  	[sflag:s17] =	ssyncset.done @!p2 $0x0  }
0x178: {  	[sflag:s17] =	ssyncadd.s32 @!p2 $0xFFFFFFE0  }
0x179: {  	[tilespmem:s28], [sflag:$0x2] =	stream.linear.gather [spmem:s7], $0x10, $0x38;
	[tilespmem:$0x10F18] =	vst v63  }
0x17a: {  	_ =	swait.ge [sflag:s18], $0x10  }
0x17b: {  	[sflag:s18] =	ssyncset.done $0x0  }
0x17c: {  	[sflag:s18] =	ssyncadd.s32 $0xFFFFFFF0  }
0x17d: {  	v0 =	vld [tilespmem:$0x1900];
	_ =	sdelay $0x4  }
0x17e: {  	(xrf2) =	vadd.scan.msk.f32 $0xffff, v0;
	_ =	sdelay $0x9  }
0x17f: {  	v0, _, _ =	vpop (xrf2)  }
0x180: {  	(v2sf) =	vpush v0, $0xF;
	_ =	sdelay $0x6  }
0x181: {  	v0 =	vld [tilespmem:$0x1400];
	_ =	sdelay $0x4  }
0x182: {  	(erf) = vrcp.f32 v0;
	_ =	sdelay $0x2  }
0x183: {  	s31 =	spop (v2sf)  }
0x184: {  	s0 =	smul.f32 s31, s30  }
.Ltmp2:
0x185: {  	_ = 	snop;
	(pc) =	sbr.rel @p1 .LBB2_3-.Ltmp2, $3  }
0x186: {  	_ = 	snop  }
0x187: {  	s0 =	smul.f32 $6.103515630e-05, s0;
	_ =	sdelay $0x1  }
0x188: {  	v4 =	vbroadcast v23, $0xF;
	v2 =	vbroadcast v63, $0xF;
	v5 =	vpop (erf);
	v3 =	vmov s0  }
0x189: {  	v0 =	vld [tilespmem:$0xC00]  }
0x18a: {  	v1 =	vld [tilespmem:$0x1410]  }
0x18b: {  	v6 =	vld [tilespmem:$0xC10]  }
0x18c: {  	v7 =	vld [tilespmem:$0x1420]  }
0x18d: {  	v8 =	vld [tilespmem:$0x1430]  }
0x18e: {  	v9 =	vld [tilespmem:$0x1440]  }
0x18f: {  	v10 =	vld [tilespmem:$0xC30]  }
0x190: {  	v61 =	vld [tilespmem:$0xC40]  }
0x191: {  	v62 =	vld [tilespmem:$0x1450]  }
0x192: {  	v11 =	vld [tilespmem:$0xC60]  }
0x193: {  	v13 =	vld [tilespmem:$0xC70]  }
0x194: {  	v63 =	vld [tilespmem:$0xC50]  }
0x195: {  	v12 =	vld [tilespmem:$0x1460];
	(erf) = vrcp.f32 v1;
	v0 =	vmul.f32 v0, v4  }
0x196: {  	v24 =	vld [tilespmem:$0x1470];
	v6 =	vmul.f32 v6, v4;
	v10 =	vmul.f32 v10, v4  }
0x197: {  	v26 =	vld [tilespmem:$0xC80];
	v11 =	vmul.f32 v11, v4;
	(erf) = vrcp.f32 v7  }
0x198: {  	v36 =	vld [tilespmem:$0xCB0];
	v13 =	vmul.f32 v13, v4;
	v7 =	vmul.f32 v61, v4  }
0x199: {  	v1 =	vld [tilespmem:$0xC20];
	(erf) = vrcp.f32 v8;
	v0 =	vsub.f32 v0, v3;
	v6 =	vsub.f32 v6, v3  }
0x19a: {  	v15 =	vld [tilespmem:$0x1480];
	v10 =	vsub.f32 v10, v3;
	(erf) = vrcp.f32 v9;
	v9 =	vmul.f32 v63, v4  }
0x19b: {  	v27 =	vld [tilespmem:$0x1490];
	v13 =	vsub.f32 v13, v3;
	v0 =	vmul.f32 v0, v2;
	v6 =	vmul.f32 v6, v2  }
0x19c: {  	v29 =	vld [tilespmem:$0x14A0];
	v11 =	vsub.f32 v11, v3;
	(erf) = vrcp.f32 v62;
	v10 =	vmul.f32 v10, v2  }
0x19d: {  	v30 =	vld [tilespmem:$0xC90];
	v7 =	vsub.f32 v7, v3;
	v35 =	vmul.f32 v13, v2;
	v13 =	vmul.f32 v36, v4  }
0x19e: {  	v31 =	vld [tilespmem:$0xCA0];
	v34 =	vmul.f32 v11, v2;
	v1 =	vmul.f32 v1, v4  }
0x19f: {  	v32 =	vld [tilespmem:$0x14B0];
	v7 =	vmul.f32 v7, v2;
	v9 =	vsub.f32 v9, v3;
	v13 =	vsub.f32 v13, v3;
	v25 =	vpop (erf)  }
0x1a0: {  	v43 =	vld [tilespmem:$0xCF0];
	v0 =	vmul.f32 v0, v5;
	v1 =	vsub.f32 v1, v3;
	v14 =	vpop (erf);
	(erf) = vrcp.f32 v12  }
0x1a1: {  	v33 =	vld [tilespmem:$0x14C0];
	v9 =	vmul.f32 v9, v2;
	v13 =	vmul.f32 v13, v2  }
0x1a2: {  	v37 =	vld [tilespmem:$0xCC0];
	v1 =	vmul.f32 v1, v2;
	v16 =	vpop (erf);
	(erf) = vrcp.f32 v24  }
0x1a3: {  	v44 =	vld [tilespmem:$0xD10];
	v5 =	vmul.f32 v6, v25;
	v28 =	vpop (erf);
	(erf) = vrcp.f32 v15  }
0x1a4: {  	v38 =	vld [tilespmem:$0x14D0];
	v6 =	vmul.f32 v26, v4;
	(erf) = vrcp.f32 v27  }
0x1a5: {  	v46 =	vld [tilespmem:$0xD30];
	v12 =	vmul.f32 v43, v4;
	v1 =	vmul.f32 v1, v14  }
0x1a6: {  	v39 =	vld [tilespmem:$0x14E0];
	v14 =	vmul.f32 v30, v4;
	v17 =	vpop (erf);
	(erf) = vrcp.f32 v29  }
0x1a7: {  	v40 =	vld [tilespmem:$0xCD0];
	v10 =	vmul.f32 v10, v16;
	(erf) = vrcp.f32 v32  }
0x1a8: {  	v41 =	vld [tilespmem:$0xCE0];
	v16 =	vmul.f32 v31, v4;
	v6 =	vsub.f32 v6, v3;
	v15 =	vmul.f32 v44, v4  }
0x1a9: {  	v12 =	vsub.f32 v12, v3;
	v7 =	vmul.f32 v7, v28;
	v27 =	vld [tilespmem:$0xD40];
	v18 =	vpop (erf);
	(erf) = vrcp.f32 v33  }
0x1aa: {  	v22 =	vld [tilespmem:$0x14F0];
	v14 =	vsub.f32 v14, v3;
	[tilespmem:$0x1620] =	vst v1;
	v1 =	vmul.f32 v46, v4;
	v9 =	vmul.f32 v9, v17  }
0x1ab: {  	v42 =	vld [tilespmem:$0x1500];
	v16 =	vsub.f32 v16, v3;
	v6 =	vmul.f32 v6, v2;
	v17 =	vmul.f32 v37, v4;
	v19 =	vpop (erf)  }
0x1ac: {  	v45 =	vld [tilespmem:$0xD20];
	v12 =	vmul.f32 v12, v2;
	v15 =	vsub.f32 v15, v3;
	v14 =	vmul.f32 v14, v2;
	v20 =	vpop (erf)  }
0x1ad: {  	v48 =	vld [tilespmem:$0x1550];
	v16 =	vmul.f32 v16, v2;
	v23 =	vpop (erf);
	(erf) = vrcp.f32 v38  }
0x1ae: {  	v53 =	vld [tilespmem:$0xD70];
	v51 =	vmul.f32 v15, v2;
	v57 =	vmul.f32 v27, v4  }
0x1af: {  	v55 =	vld [tilespmem:$0x1580];
	v6 =	vmul.f32 v6, v20;
	v20 =	vpop (erf);
	(erf) = vrcp.f32 v39  }
0x1b0: {  	v14 =	vmul.f32 v14, v23;
	v23 =	vld [tilespmem:$0x1510];
	v24 =	vpop (erf);
	(erf) = vrcp.f32 v22  }
0x1b1: {  	v1 =	vsub.f32 v1, v3;
	v8 =	vmul.f32 v34, v18;
	v18 =	vmul.f32 v40, v4;
	v22 =	vld [tilespmem:$0x1520]  }
0x1b2: {  	v17 =	vsub.f32 v17, v3;
	v16 =	vmul.f32 v16, v20;
	v20 =	vld [tilespmem:$0xD00];
	v25 =	vpop (erf);
	(erf) = vrcp.f32 v42  }
0x1b3: {  	v59 =	vld [tilespmem:$0xD90];
	v60 =	vsub.f32 v57, v3;
	v11 =	vmul.f32 v35, v19;
	v19 =	vmul.f32 v41, v4  }
0x1b4: {  	v62 =	vld [tilespmem:$0x1590];
	v1 =	vmul.f32 v1, v2;
	v17 =	vmul.f32 v17, v2;
	v18 =	vsub.f32 v18, v3  }
0x1b5: {  	[tilespmem:$0x1660] =	vst v8;
	v8 =	vmul.f32 v60, v2;
	v19 =	vsub.f32 v19, v3;
	(erf) = vrcp.f32 v23;
	v23 =	vld [tilespmem:$0x1530]  }
0x1b6: {  	v18 =	vmul.f32 v18, v2;
	v26 =	vpop (erf);
	(erf) = vrcp.f32 v22;
	v22 =	vld [tilespmem:$0x1540]  }
0x1b7: {  	v44 =	vld [tilespmem:$0xDD0];
	v19 =	vmul.f32 v19, v2;
	v20 =	vmul.f32 v20, v4  }
0x1b8: {  	v28 =	vld [tilespmem:$0x1560];
	v13 =	vmul.f32 v13, v24;
	v24 =	vmul.f32 v45, v4;
	v47 =	vpop (erf)  }
0x1b9: {  	v33 =	vld [tilespmem:$0x15B0];
	v17 =	vmul.f32 v17, v25;
	v20 =	vsub.f32 v20, v3;
	v19 =	vmul.f32 v19, v47;
	v29 =	vpop (erf)  }
0x1ba: {  	[tilespmem:$0x1600] =	vst v0;
	v52 =	vsub.f32 v24, v3;
	v47 =	vld [tilespmem:$0xDE0];
	(erf) = vrcp.f32 v23;
	v0 =	vmul.f32 v12, v29  }
0x1bb: {  	v20 =	vmul.f32 v20, v2;
	v23 =	vld [tilespmem:$0x1570];
	v49 =	vpop (erf);
	(erf) = vrcp.f32 v22  }
0x1bc: {  	v41 =	vld [tilespmem:$0xDC0];
	v15 =	vmul.f32 v52, v2;
	[tilespmem:$0x16F0] =	vst v0;
	v0 =	vmul.f32 v59, v4  }
0x1bd: {  	[tilespmem:$0x1610] =	vst v5;
	v50 =	vmul.f32 v20, v49;
	v20 =	vld [tilespmem:$0xD60];
	(erf) = vrcp.f32 v48  }
0x1be: {  	[tilespmem:$0x1630] =	vst v10;
	v52 =	vmul.f32 v44, v4;
	v29 =	vld [tilespmem:$0x15A0];
	v54 =	vpop (erf);
	(erf) = vrcp.f32 v28  }
0x1bf: {  	[tilespmem:$0x1640] =	vst v7;
	v18 =	vmul.f32 v18, v26;
	v22 =	vld [tilespmem:$0xD50];
	v0 =	vsub.f32 v0, v3;
	v58 =	vmul.f32 v51, v54  }
0x1c0: {  	[tilespmem:$0x1650] =	vst v9;
	v49 =	vld [tilespmem:$0xDF0];
	v54 =	vmul.f32 v47, v4;
	v56 =	vpop (erf);
	(erf) = vrcp.f32 v23  }
0x1c1: {  	v35 =	vld [tilespmem:$0x15C0];
	[tilespmem:$0x1700] =	vst v50;
	v0 =	vmul.f32 v0, v2;
	v50 =	vmul.f32 v41, v4  }
0x1c2: {  	[tilespmem:$0x1670] =	vst v11;
	v23 =	vld [tilespmem:$0xD80];
	v7 =	vmul.f32 v15, v56;
	v63 =	vmul.f32 v20, v4  }
0x1c3: {  	v37 =	vld [tilespmem:$0x15D0];
	[tilespmem:$0x1680] =	vst v6;
	v20 =	vmul.f32 v53, v4;
	v28 =	vpop (erf);
	(erf) = vrcp.f32 v55  }
0x1c4: {  	v39 =	vld [tilespmem:$0x15E0];
	[tilespmem:$0x1690] =	vst v14;
	v61 =	vmul.f32 v22, v4;
	v30 =	vpop (erf);
	(erf) = vrcp.f32 v62  }
0x1c5: {  	[tilespmem:$0x1710] =	vst v58;
	v58 =	vmul.f32 v49, v4;
	v31 =	vsub.f32 v20, v3;
	v20 =	vld [tilespmem:$0xDB0];
	(erf) = vrcp.f32 v29  }
0x1c6: {  	[tilespmem:$0x16A0] =	vst v16;
	v22 =	vld [tilespmem:$0xDA0];
	v12 =	vsub.f32 v61, v3;
	v1 =	vmul.f32 v1, v28;
	v34 =	vpop (erf);
	(erf) = vrcp.f32 v33  }
0x1c7: {  	[tilespmem:$0x16B0] =	vst v13;
	v11 =	vsub.f32 v63, v3;
	v23 =	vmul.f32 v23, v4;
	v36 =	vpop (erf);
	(erf) = vrcp.f32 v35  }
0x1c8: {  	v42 =	vld [tilespmem:$0x15F0];
	[tilespmem:$0x16C0] =	vst v17;
	v32 =	vmul.f32 v12, v2;
	(erf) = vrcp.f32 v37  }
0x1c9: {  	[tilespmem:$0x16D0] =	vst v18;
	v6 =	vmul.f32 v8, v30;
	v11 =	vmul.f32 v11, v2  }
0x1ca: {  	[tilespmem:$0x16E0] =	vst v19;
	v14 =	vmul.f32 v31, v2;
	v48 =	vmul.f32 v20, v4  }
0x1cb: {  	[tilespmem:$0x1720] =	vst v7;
	v40 =	vsub.f32 v23, v3;
	v46 =	vmul.f32 v22, v4;
	v38 =	vpop (erf);
	(erf) = vrcp.f32 v39  }
0x1cc: {  	[tilespmem:$0x1730] =	vst v1;
	v8 =	vmul.f32 v32, v34;
	v11 =	vmul.f32 v11, v36;
	v45 =	vpop (erf);
	v7 =	vsub.f32 v48, v3  }
0x1cd: {  	v43 =	vmul.f32 v40, v2;
	v1 =	vsub.f32 v46, v3;
	[tilespmem:$0x1740] =	vst v6;
	(erf) = vrcp.f32 v42;
	v51 =	vpop (erf)  }
0x1ce: {  	[tilespmem:$0x1750] =	vst v8;
	v8 =	vsub.f32 v52, v3;
	v7 =	vmul.f32 v7, v2;
	v53 =	vpop (erf);
	v0 =	vmul.f32 v0, v51  }
0x1cf: {  	v6 =	vsub.f32 v50, v3;
	v13 =	vmul.f32 v14, v38;
	v1 =	vmul.f32 v1, v2;
	[tilespmem:$0x1760] =	vst v11;
	v55 =	vpop (erf)  }
0x1d0: {  	v60 =	vmul.f32 v8, v2;
	v59 =	vpop (erf);
	[tilespmem:$0x1790] =	vst v0;
	v0 =	vmul.f32 v7, v55  }
0x1d1: {  	v57 =	vsub.f32 v54, v3;
	v56 =	vmul.f32 v6, v2;
	[tilespmem:$0x1770] =	vst v13;
	v1 =	vmul.f32 v1, v53;
	v61 =	vpop (erf)  }
0x1d2: {  	v5 =	vmul.f32 v43, v45;
	[tilespmem:$0x17B0] =	vst v0;
	v0 =	vmul.f32 v60, v61  }
.Ltmp3:
0x1d3: {  	v62 =	vmul.f32 v57, v2;
	v3 =	vsub.f32 v58, v3;
	[tilespmem:$0x17A0] =	vst v1;
	v1 =	vmul.f32 v56, v59;
	(pc) =	sbr.rel .LBB2_4-.Ltmp3, $4  }
0x1d4: {  	[tilespmem:$0x1780] =	vst v5;
	v63 =	vpop (erf)  }
0x1d5: {  	v2 =	vmul.f32 v3, v2;
	[tilespmem:$0x17C0] =	vst v1;
	v1 =	vmul.f32 v62, v63  }
0x1d6: {  	[tilespmem:$0x17D0] =	vst v0;
	v0 =	vpop (erf)  }
0x1d7: {  	[tilespmem:$0x17E0] =	vst v1;
	v2 =	vmul.f32 v2, v0  }
.LBB2_5:
0x1d8: {  	_ =	sfence.sel $0x180000  }
0x1d9: {  	[bflag:$0x0] =	sbarrier.arrive $0xFFFF  }
0x1da: {  	_ =	strace $0x9000004A  }
0x1db: {  	[bflag:$0x2] =	sbarrier.arrive $0xFFFF  }
0x1dc: {  	s0 =	rddreg [dreg:$0x6]  }
0x1dd: {  	s0 =	sadd.s32 @!p0 $0x100000, s0  }
0x1de: {  	[sflag:s0] =	ssyncadd.tile.s32 @!p0 $0x1;
	_ =	shalt  }
.Lfunc_end2:
_tile_overlayer_lowered:
.L_overlay_start_2:
0x1df: {  	(tag) =	ssettag $0x2  }
0x1e0: {  	s0 =	rddreg [dreg:$0x0];
	s2 =	stileid.u32  }
0x1e1: {  	s1 =	rddreg [dreg:$0x1];
	p0 =	sne.s32 s2, $0x0  }
0x1e2: {  	s3 =	rddreg [dreg:$0x2];
	[bflag:$0x3] =	sbarrier.arrive $0xFFFF;
	s2 =	simm.s32 @!p0 $0x1C02  }
0x1e3: {  	[timem:s3], [sflag:s2] =	dma.local @!p0 [hbm:s0], s1  }
0x1e4: {  	s0 =	simm.s32 @!p0 $0x2  }
0x1e5: {  	_ =	swait.ge @!p0 [sflag:s0], s1  }
0x1e6: {  	s1 =	ssub.s32 @!p0 $0x0, s1;
	[sflag:s0] =	ssyncset.done @!p0 $0x0  }
0x1e7: {  	[sflag:s0] =	ssyncadd.s32 @!p0 s1  }
0x1e8: {  	[bflag:$0x3] =	sbarrier.arrive $0xFFFF  }
0x1e9: {  	_ =	shalt  }

</sc_bundles>
